<compile_context>
chip_gen: v7x
topology: tpu7x:2x2x1
jax: 0.10.2.dev20260603
libtpu: 0.0.44.dev20260713+nightly
codegen_flags: <defaults>
</compile_context>

<pallas_src>
import functools

import jax
import jax.numpy as jnp
from jax import lax
from jax.experimental import pallas as pl
from jax.experimental.pallas import tpu as pltpu
from jax.experimental.pallas import tpu_sc as plsc

M = 16384
D = 256
K = 8192
BLK_M = 1024
GRID_M = M // BLK_M

NC = 2
NS = 16
NW = NC * NS
B_PER_W = M // NW
CHUNK = 128


def _cbnorm_body(cb_ref, cn_ref, cnb_ref):
    c = cb_ref[...]
    n = jnp.sqrt(jnp.sum(c * c, axis=1, keepdims=True))
    cn = c / jnp.maximum(n, 1e-12)
    cn_ref[...] = cn
    cnb_ref[...] = cn.astype(jnp.bfloat16)


def _cbnorm(codebook):
    return pl.pallas_call(
        _cbnorm_body,
        out_shape=[
            jax.ShapeDtypeStruct((K, D), jnp.float32),
            jax.ShapeDtypeStruct((K, D), jnp.bfloat16),
        ],
    )(codebook)


def _vq_body(x_ref, cnb_ref, idx_ref, smax_ref):
    i = pl.program_id(0)

    @pl.when(i == 0)
    def _init():
        smax_ref[...] = jnp.zeros((1, 1), jnp.float32)

    xb = x_ref[...]
    xn = xb / jnp.maximum(
        jnp.sqrt(jnp.sum(xb * xb, axis=1, keepdims=True)), 1e-12)
    simt = lax.dot_general(
        cnb_ref[...], xn.astype(jnp.bfloat16), (((1,), (1,)), ((), ())),
        preferred_element_type=jnp.float32)
    maxv = jnp.max(simt, axis=0)
    idx = jnp.argmax(simt, axis=0)
    idx_ref[0, :, :] = idx.astype(jnp.int32).reshape(BLK_M // 128, 128)
    smax_ref[...] += jnp.sum(maxv).reshape(1, 1)


def _vq_tc(x_flat, cnb):
    return pl.pallas_call(
        _vq_body,
        grid=(GRID_M,),
        in_specs=[
            pl.BlockSpec((BLK_M, D), lambda i: (i, 0)),
            pl.BlockSpec((K, D), lambda i: (0, 0)),
        ],
        out_specs=[
            pl.BlockSpec((1, BLK_M // 128, 128), lambda i: (i, 0, 0)),
            pl.BlockSpec((1, 1), lambda i: (0, 0)),
        ],
        out_shape=[
            jax.ShapeDtypeStruct((GRID_M, BLK_M // 128, 128), jnp.int32),
            jax.ShapeDtypeStruct((1, 1), jnp.float32),
        ],
        compiler_params=pltpu.CompilerParams(
            dimension_semantics=("arbitrary",)),
    )(x_flat, cnb)


NCHUNK = B_PER_W // CHUNK


def _sc_body(cn_hbm, idx_hbm, zeros_hbm, ones_hbm, zq_hbm, hist_hbm,
             idx_v, rows0, rows1, vbuf, shared, gs0, gs1):
    cid = lax.axis_index("c")
    sid = lax.axis_index("s")
    wid = sid * NC + cid
    base = wid * B_PER_W
    bufs = (rows0, rows1)
    sems = (gs0, gs1)
    pltpu.sync_copy(idx_hbm.at[wid], idx_v)

    gd = [None] * NCHUNK
    gd[0] = pltpu.async_copy(cn_hbm.at[idx_v.at[0]], rows0, gs0)
    gd[1] = pltpu.async_copy(cn_hbm.at[idx_v.at[1]], rows1, gs1)

    pltpu.sync_copy(ones_hbm, vbuf)
    rps = K // NS
    pltpu.sync_copy(zeros_hbm.at[pl.ds(sid * rps, rps)],
                    shared.at[pl.ds(sid * rps, rps)])
    plsc.subcore_barrier()
    for c in range(NCHUNK):
        pltpu.sync_copy(vbuf, shared.at[idx_v.at[c]], add=True)
    plsc.subcore_barrier()
    pltpu.sync_copy(shared.at[pl.ds(sid * rps, rps)],
                    hist_hbm.at[cid, pl.ds(sid * rps, rps)])

    for c in range(NCHUNK):
        b = c % 2
        gd[c].wait()
        pltpu.sync_copy(bufs[b], zq_hbm.at[pl.ds(base + c * CHUNK, CHUNK)])
        nxt = c + 2
        if nxt < NCHUNK:
            gd[nxt] = pltpu.async_copy(cn_hbm.at[idx_v.at[nxt]],
                                       bufs[b], sems[b])


@functools.cache
def _sc_gather_hist():
    return pl.kernel(
        _sc_body,
        mesh=plsc.VectorSubcoreMesh(core_axis_name="c", subcore_axis_name="s"),
        out_type=[
            jax.ShapeDtypeStruct((M, D), jnp.float32),
            jax.ShapeDtypeStruct((NC, K), jnp.float32),
        ],
        scratch_types=[
            pltpu.VMEM((NCHUNK, CHUNK), jnp.int32),
            pltpu.VMEM((CHUNK, D), jnp.float32),
            pltpu.VMEM((CHUNK, D), jnp.float32),
            pltpu.VMEM((CHUNK,), jnp.float32),
            pltpu.VMEM_SHARED((K,), jnp.float32),
            pltpu.SemaphoreType.DMA,
            pltpu.SemaphoreType.DMA,
        ],
    )


def _fin_body(hist_ref, smax_ref, loss_ref, perp_ref):
    h = hist_ref[...]
    counts = (h[0, :] + h[1, :]).reshape(1, K)
    e = counts * (1.0 / M)
    ent = jnp.sum(e * jnp.log(e + 1e-10))
    perp_ref[...] = jnp.exp(-ent).reshape(1, 1)
    s = smax_ref[0, 0]
    mse = (2.0 * M - 2.0 * s) / (M * D)
    loss_ref[...] = (1.25 * mse).reshape(1, 1)


def _finalize(hist, smax):
    return pl.pallas_call(
        _fin_body,
        out_shape=[
            jax.ShapeDtypeStruct((1, 1), jnp.float32),
            jax.ShapeDtypeStruct((1, 1), jnp.float32),
        ],
    )(hist, smax)


def kernel(x, codebook):
    B, N, d = x.shape
    x_flat = x.reshape(B * N, d)
    cn, cnb = _cbnorm(codebook)
    idx3, smax = _vq_tc(x_flat, cnb)
    idx = idx3.reshape(NW, NCHUNK, CHUNK)
    zeros_h = jnp.zeros((K,), jnp.float32)
    ones_h = jnp.ones((CHUNK,), jnp.float32)
    z_q, hist = _sc_gather_hist()(cn, idx, zeros_h, ones_h)
    loss, perp = _finalize(hist, smax)
    return z_q.reshape(B, N, d), loss[0, 0], perp[0, 0]

# --- scband reference (transcript-rebuilt; emitter-appended) ---
"""Pipeline reference for scband-vector-quantizer-31327491457309 (READ-ONLY COPY).

The authoritative reference and input builder live on the scoring server;
editing this copy changes nothing except your own understanding.
"""

import jax, jax.numpy as jnp
import numpy as np


def l2norm(t, eps=1e-12):
    return t / jnp.maximum(jnp.linalg.norm(t, axis=-1, keepdims=True), eps)


def setup_inputs(seed: int = 0) -> dict:
    key = jax.random.key(seed)
    k1, k2 = jax.random.split(key)
    x = jax.random.normal(k1, (16, 1024, 256), dtype=jnp.float32)
    codebook = jax.random.normal(k2, (8192, 256), dtype=jnp.float32)
    return {"x": x, "codebook": codebook}


def reference(x, codebook):
    # Cosine-similarity vector quantizer (VQGAN-style with use_cosine_sim=True)
    beta = 0.25
    B, N, D = x.shape
    x_flat = x.reshape(-1, D)
    # normalize inputs and codebook for cosine similarity
    xn = l2norm(x_flat)
    cn = l2norm(codebook)
    # similarity / nearest-neighbor lookup (compute-heavy matmul)
    sim = xn @ cn.T  # [B*N, K]
    idx = jnp.argmax(sim, axis=-1)  # [B*N]
    z_q = jnp.take(cn, idx, axis=0)  # gather quantized (normalized) codes
    # commitment + codebook losses
    commit_loss = jnp.mean((jax.lax.stop_gradient(z_q) - xn) ** 2)
    codebook_loss = jnp.mean((z_q - jax.lax.stop_gradient(xn)) ** 2)
    loss = beta * commit_loss + codebook_loss
    # straight-through estimator
    z_q_st = xn + jax.lax.stop_gradient(z_q - xn)
    # stats: codebook usage perplexity
    onehot = jax.nn.one_hot(idx, codebook.shape[0], dtype=jnp.float32)
    e_mean = jnp.mean(onehot, axis=0)
    perplexity = jnp.exp(-jnp.sum(e_mean * jnp.log(e_mean + 1e-10)))
    return z_q_st.reshape(B, N, D), loss, perplexity

if __name__ == "__main__":
    import jax
    _d = setup_inputs()
    print(jax.jit(kernel)(*tuple(_d.values())))

</pallas_src>

<mosaic_0001>
#map = affine_map<(d0, d1) -> (0, 0)>
#map1 = affine_map<(d0, d1) -> (0, 0, 0)>
#map2 = affine_map<(d0, d1) -> (0)>
module attributes {stable_mosaic.version = 14 : i64} {
  func.func @_sc_body(%arg0: i32, %arg1: i32, %arg2: memref<8192x256xf32, #tpu.memory_space<hbm>>, %arg3: memref<32x4x128xi32, #tpu.memory_space<hbm>>, %arg4: memref<8192xf32, #tpu.memory_space<hbm>>, %arg5: memref<128xf32, #tpu.memory_space<hbm>>, %arg6: memref<16384x256xf32, #tpu.memory_space<hbm>>, %arg7: memref<2x8192xf32, #tpu.memory_space<hbm>>, %arg8: memref<4x128xi32, #tpu.memory_space<vmem>>, %arg9: memref<128x256xf32, #tpu.memory_space<vmem>>, %arg10: memref<128x256xf32, #tpu.memory_space<vmem>>, %arg11: memref<128xf32, #tpu.memory_space<vmem>>, %arg12: memref<8192xf32, #tpu.memory_space<vmem_shared>>, %arg13: memref<!tpu.dma_semaphore, #tpu.memory_space<semaphore_mem>>, %arg14: memref<!tpu.dma_semaphore, #tpu.memory_space<semaphore_mem>>) attributes {dimension_semantics = [#tpu.dimension_semantics<core_parallel>, #tpu.dimension_semantics<subcore_parallel>], iteration_bounds = array<i64: 2, 16>, scalar_prefetch = 0 : i64, scratch_operands = 7 : i64, tpu.core_type = #tpu.core_type<sc_vector_subcore>, window_params = [{transform_indices = #map}, {transform_indices = #map1}, {transform_indices = #map2}, {transform_indices = #map2}, {transform_indices = #map}, {transform_indices = #map}]} {
    %mul3A = arith.constant 2 : i32
    %mul3A_0 = arith.muli %arg1, %mul3A : i32
    %add3A = arith.addi %mul3A_0, %arg0 : i32
    %mul3A_1 = arith.constant 512 : i32
    %mul3A_2 = arith.muli %add3A, %mul3A_1 : i32
    "tpu.region"() ({
      %run_scoped3A_77 = tpu.sem_alloc : memref<!tpu.dma_semaphore, #tpu.memory_space<semaphore_mem>>
      %dma_start3A_78 = arith.constant 0 : i32
      %dma_start3A_79 = arith.constant 0 : i32
      %dma_start3A_80 = tpu.memref_slice %arg3[%add3A, %dma_start3A_78, %dma_start3A_79] : memref<32x4x128xi32, #tpu.memory_space<hbm>> -> memref<1x4x128xi32, #tpu.memory_space<hbm>>
      %dma_start3A_81 = tpu.memref_squeeze %dma_start3A_80 : memref<1x4x128xi32, #tpu.memory_space<hbm>> -> memref<4x128xi32, #tpu.memory_space<hbm>>
      %dma_start3A_82 = arith.constant 0 : i32
      %dma_start3A_83 = arith.constant 0 : i32
      %dma_start3A_84 = tpu.memref_slice %arg3[%add3A, %dma_start3A_82, %dma_start3A_83] : memref<32x4x128xi32, #tpu.memory_space<hbm>> -> memref<1x4x128xi32, #tpu.memory_space<hbm>>
      %dma_start3A_85 = tpu.memref_squeeze %dma_start3A_84 : memref<1x4x128xi32, #tpu.memory_space<hbm>> -> memref<4x128xi32, #tpu.memory_space<hbm>>
      tpu.enqueue_dma source(%dma_start3A_85 : memref<4x128xi32, #tpu.memory_space<hbm>>) target(%arg8 : memref<4x128xi32, #tpu.memory_space<vmem>>) target_semaphore(%run_scoped3A_77 : memref<!tpu.dma_semaphore, #tpu.memory_space<semaphore_mem>>)
      %dma_wait3A_86 = arith.constant 0 : i32
      %dma_wait3A_87 = arith.constant 0 : i32
      %dma_wait3A_88 = tpu.memref_slice %arg3[%add3A, %dma_wait3A_86, %dma_wait3A_87] : memref<32x4x128xi32, #tpu.memory_space<hbm>> -> memref<1x4x128xi32, #tpu.memory_space<hbm>>
      %dma_wait3A_89 = tpu.memref_squeeze %dma_wait3A_88 : memref<1x4x128xi32, #tpu.memory_space<hbm>> -> memref<4x128xi32, #tpu.memory_space<hbm>>
      %dma_wait3A_90 = arith.constant 0 : i32
      %dma_wait3A_91 = arith.constant 0 : i32
      %dma_wait3A_92 = tpu.memref_slice %arg3[%add3A, %dma_wait3A_90, %dma_wait3A_91] : memref<32x4x128xi32, #tpu.memory_space<hbm>> -> memref<1x4x128xi32, #tpu.memory_space<hbm>>
      %dma_wait3A_93 = tpu.memref_squeeze %dma_wait3A_92 : memref<1x4x128xi32, #tpu.memory_space<hbm>> -> memref<4x128xi32, #tpu.memory_space<hbm>>
      tpu.wait_dma2 semaphore(%run_scoped3A_77 : memref<!tpu.dma_semaphore, #tpu.memory_space<semaphore_mem>>) src(%dma_wait3A_93 : memref<4x128xi32, #tpu.memory_space<hbm>>) dst(%arg8 : memref<4x128xi32, #tpu.memory_space<vmem>>)
      tpu.yield
    }) : () -> ()
    %dma_start3A = arith.constant 0 : i32
    %dma_start3A_3 = arith.constant 0 : i32
    %dma_start3A_4 = tpu.memref_slice %arg8[%dma_start3A, %dma_start3A_3] : memref<4x128xi32, #tpu.memory_space<vmem>> -> memref<1x128xi32, #tpu.memory_space<vmem>>
    %dma_start3A_5 = tpu.memref_squeeze %dma_start3A_4 : memref<1x128xi32, #tpu.memory_space<vmem>> -> memref<128xi32, #tpu.memory_space<vmem>>
    %dma_start3A_6 = arith.constant 0 : i32
    %dma_start3A_7 = arith.constant 0 : i32
    %dma_start3A_8 = tpu.memref_slice %arg2[%dma_start3A_6, %dma_start3A_7] : memref<8192x256xf32, #tpu.memory_space<hbm>> -> memref<8192x256xf32, #tpu.memory_space<hbm>>
    tpu.enqueue_indirect_dma source(%dma_start3A_8 : memref<8192x256xf32, #tpu.memory_space<hbm>>) target(%arg9 : memref<128x256xf32, #tpu.memory_space<vmem>>) offsets(%dma_start3A_5 : memref<128xi32, #tpu.memory_space<vmem>>) semaphore(%arg13 : memref<!tpu.dma_semaphore, #tpu.memory_space<semaphore_mem>>)
    %dma_start3A_9 = arith.constant 1 : i32
    %dma_start3A_10 = arith.constant 0 : i32
    %dma_start3A_11 = tpu.memref_slice %arg8[%dma_start3A_9, %dma_start3A_10] : memref<4x128xi32, #tpu.memory_space<vmem>> -> memref<1x128xi32, #tpu.memory_space<vmem>>
    %dma_start3A_12 = tpu.memref_squeeze %dma_start3A_11 : memref<1x128xi32, #tpu.memory_space<vmem>> -> memref<128xi32, #tpu.memory_space<vmem>>
    %dma_start3A_13 = arith.constant 0 : i32
    %dma_start3A_14 = arith.constant 0 : i32
    %dma_start3A_15 = tpu.memref_slice %arg2[%dma_start3A_13, %dma_start3A_14] : memref<8192x256xf32, #tpu.memory_space<hbm>> -> memref<8192x256xf32, #tpu.memory_space<hbm>>
    tpu.enqueue_indirect_dma source(%dma_start3A_15 : memref<8192x256xf32, #tpu.memory_space<hbm>>) target(%arg10 : memref<128x256xf32, #tpu.memory_space<vmem>>) offsets(%dma_start3A_12 : memref<128xi32, #tpu.memory_space<vmem>>) semaphore(%arg14 : memref<!tpu.dma_semaphore, #tpu.memory_space<semaphore_mem>>)
    "tpu.region"() ({
      %run_scoped3A_77 = tpu.sem_alloc : memref<!tpu.dma_semaphore, #tpu.memory_space<semaphore_mem>>
      tpu.enqueue_dma source(%arg5 : memref<128xf32, #tpu.memory_space<hbm>>) target(%arg11 : memref<128xf32, #tpu.memory_space<vmem>>) target_semaphore(%run_scoped3A_77 : memref<!tpu.dma_semaphore, #tpu.memory_space<semaphore_mem>>)
      tpu.wait_dma2 semaphore(%run_scoped3A_77 : memref<!tpu.dma_semaphore, #tpu.memory_space<semaphore_mem>>) src(%arg5 : memref<128xf32, #tpu.memory_space<hbm>>) dst(%arg11 : memref<128xf32, #tpu.memory_space<vmem>>)
      tpu.yield
    }) : () -> ()
    %mul3A_16 = arith.constant 512 : i32
    %mul3A_17 = arith.muli %arg1, %mul3A_16 : i32
    %mul3A_18 = arith.constant 512 : i32
    %mul3A_19 = arith.muli %arg1, %mul3A_18 : i32
    "tpu.region"() ({
      %run_scoped3A_77 = tpu.sem_alloc : memref<!tpu.dma_semaphore, #tpu.memory_space<semaphore_mem>>
      %dma_start3A_78 = tpu.memref_slice %arg12[%mul3A_19] : memref<8192xf32, #tpu.memory_space<vmem_shared>> -> memref<512xf32, #tpu.memory_space<vmem_shared>>
      %dma_start3A_79 = tpu.memref_slice %arg4[%mul3A_17] : memref<8192xf32, #tpu.memory_space<hbm>> -> memref<512xf32, #tpu.memory_space<hbm>>
      tpu.enqueue_dma source(%dma_start3A_79 : memref<512xf32, #tpu.memory_space<hbm>>) target(%dma_start3A_78 : memref<512xf32, #tpu.memory_space<vmem_shared>>) target_semaphore(%run_scoped3A_77 : memref<!tpu.dma_semaphore, #tpu.memory_space<semaphore_mem>>)
      %dma_wait3A_80 = tpu.memref_slice %arg12[%mul3A_19] : memref<8192xf32, #tpu.memory_space<vmem_shared>> -> memref<512xf32, #tpu.memory_space<vmem_shared>>
      %dma_wait3A_81 = tpu.memref_slice %arg4[%mul3A_17] : memref<8192xf32, #tpu.memory_space<hbm>> -> memref<512xf32, #tpu.memory_space<hbm>>
      tpu.wait_dma2 semaphore(%run_scoped3A_77 : memref<!tpu.dma_semaphore, #tpu.memory_space<semaphore_mem>>) src(%dma_wait3A_81 : memref<512xf32, #tpu.memory_space<hbm>>) dst(%dma_wait3A_80 : memref<512xf32, #tpu.memory_space<vmem_shared>>)
      tpu.yield
    }) : () -> ()
    %barrier3A = arith.constant 0 : index
    tpu.barrier barrier_id(%barrier3A)
    %run_scoped3A = arith.constant 0 : i32
    "tpu.region"() ({
      %run_scoped3A_77 = tpu.sem_alloc : memref<!tpu.dma_semaphore, #tpu.memory_space<semaphore_mem>>
      %dma_start3A_78 = arith.constant 0 : i32
      %dma_start3A_79 = tpu.memref_slice %arg8[%run_scoped3A, %dma_start3A_78] : memref<4x128xi32, #tpu.memory_space<vmem>> -> memref<1x128xi32, #tpu.memory_space<vmem>>
      %dma_start3A_80 = tpu.memref_squeeze %dma_start3A_79 : memref<1x128xi32, #tpu.memory_space<vmem>> -> memref<128xi32, #tpu.memory_space<vmem>>
      %dma_start3A_81 = arith.constant 0 : i32
      %dma_start3A_82 = tpu.memref_slice %arg12[%dma_start3A_81] : memref<8192xf32, #tpu.memory_space<vmem_shared>> -> memref<8192xf32, #tpu.memory_space<vmem_shared>>
      tpu.enqueue_indirect_dma source(%arg11 : memref<128xf32, #tpu.memory_space<vmem>>) target(%dma_start3A_82 : memref<8192xf32, #tpu.memory_space<vmem_shared>>) offsets(%dma_start3A_80 : memref<128xi32, #tpu.memory_space<vmem>>) semaphore(%run_scoped3A_77 : memref<!tpu.dma_semaphore, #tpu.memory_space<semaphore_mem>>) {add = true}
      %dma_wait3A_83 = arith.constant 0 : i32
      %dma_wait3A_84 = tpu.memref_slice %arg8[%run_scoped3A, %dma_wait3A_83] : memref<4x128xi32, #tpu.memory_space<vmem>> -> memref<1x128xi32, #tpu.memory_space<vmem>>
      %dma_wait3A_85 = tpu.memref_squeeze %dma_wait3A_84 : memref<1x128xi32, #tpu.memory_space<vmem>> -> memref<128xi32, #tpu.memory_space<vmem>>
      %dma_wait3A_86 = arith.constant 0 : i32
      %dma_wait3A_87 = tpu.memref_slice %arg12[%dma_wait3A_86] : memref<8192xf32, #tpu.memory_space<vmem_shared>> -> memref<8192xf32, #tpu.memory_space<vmem_shared>>
      tpu.wait_indirect_dma semaphore(%run_scoped3A_77 : memref<!tpu.dma_semaphore, #tpu.memory_space<semaphore_mem>>) src(%arg11 : memref<128xf32, #tpu.memory_space<vmem>>) dst(%dma_wait3A_87 : memref<8192xf32, #tpu.memory_space<vmem_shared>>)
      tpu.yield
    }) : () -> ()
    %run_scoped3A_20 = arith.constant 1 : i32
    "tpu.region"() ({
      %run_scoped3A_77 = tpu.sem_alloc : memref<!tpu.dma_semaphore, #tpu.memory_space<semaphore_mem>>
      %dma_start3A_78 = arith.constant 0 : i32
      %dma_start3A_79 = tpu.memref_slice %arg8[%run_scoped3A_20, %dma_start3A_78] : memref<4x128xi32, #tpu.memory_space<vmem>> -> memref<1x128xi32, #tpu.memory_space<vmem>>
      %dma_start3A_80 = tpu.memref_squeeze %dma_start3A_79 : memref<1x128xi32, #tpu.memory_space<vmem>> -> memref<128xi32, #tpu.memory_space<vmem>>
      %dma_start3A_81 = arith.constant 0 : i32
      %dma_start3A_82 = tpu.memref_slice %arg12[%dma_start3A_81] : memref<8192xf32, #tpu.memory_space<vmem_shared>> -> memref<8192xf32, #tpu.memory_space<vmem_shared>>
      tpu.enqueue_indirect_dma source(%arg11 : memref<128xf32, #tpu.memory_space<vmem>>) target(%dma_start3A_82 : memref<8192xf32, #tpu.memory_space<vmem_shared>>) offsets(%dma_start3A_80 : memref<128xi32, #tpu.memory_space<vmem>>) semaphore(%run_scoped3A_77 : memref<!tpu.dma_semaphore, #tpu.memory_space<semaphore_mem>>) {add = true}
      %dma_wait3A_83 = arith.constant 0 : i32
      %dma_wait3A_84 = tpu.memref_slice %arg8[%run_scoped3A_20, %dma_wait3A_83] : memref<4x128xi32, #tpu.memory_space<vmem>> -> memref<1x128xi32, #tpu.memory_space<vmem>>
      %dma_wait3A_85 = tpu.memref_squeeze %dma_wait3A_84 : memref<1x128xi32, #tpu.memory_space<vmem>> -> memref<128xi32, #tpu.memory_space<vmem>>
      %dma_wait3A_86 = arith.constant 0 : i32
      %dma_wait3A_87 = tpu.memref_slice %arg12[%dma_wait3A_86] : memref<8192xf32, #tpu.memory_space<vmem_shared>> -> memref<8192xf32, #tpu.memory_space<vmem_shared>>
      tpu.wait_indirect_dma semaphore(%run_scoped3A_77 : memref<!tpu.dma_semaphore, #tpu.memory_space<semaphore_mem>>) src(%arg11 : memref<128xf32, #tpu.memory_space<vmem>>) dst(%dma_wait3A_87 : memref<8192xf32, #tpu.memory_space<vmem_shared>>)
      tpu.yield
    }) : () -> ()
    %run_scoped3A_21 = arith.constant 2 : i32
    "tpu.region"() ({
      %run_scoped3A_77 = tpu.sem_alloc : memref<!tpu.dma_semaphore, #tpu.memory_space<semaphore_mem>>
      %dma_start3A_78 = arith.constant 0 : i32
      %dma_start3A_79 = tpu.memref_slice %arg8[%run_scoped3A_21, %dma_start3A_78] : memref<4x128xi32, #tpu.memory_space<vmem>> -> memref<1x128xi32, #tpu.memory_space<vmem>>
      %dma_start3A_80 = tpu.memref_squeeze %dma_start3A_79 : memref<1x128xi32, #tpu.memory_space<vmem>> -> memref<128xi32, #tpu.memory_space<vmem>>
      %dma_start3A_81 = arith.constant 0 : i32
      %dma_start3A_82 = tpu.memref_slice %arg12[%dma_start3A_81] : memref<8192xf32, #tpu.memory_space<vmem_shared>> -> memref<8192xf32, #tpu.memory_space<vmem_shared>>
      tpu.enqueue_indirect_dma source(%arg11 : memref<128xf32, #tpu.memory_space<vmem>>) target(%dma_start3A_82 : memref<8192xf32, #tpu.memory_space<vmem_shared>>) offsets(%dma_start3A_80 : memref<128xi32, #tpu.memory_space<vmem>>) semaphore(%run_scoped3A_77 : memref<!tpu.dma_semaphore, #tpu.memory_space<semaphore_mem>>) {add = true}
      %dma_wait3A_83 = arith.constant 0 : i32
      %dma_wait3A_84 = tpu.memref_slice %arg8[%run_scoped3A_21, %dma_wait3A_83] : memref<4x128xi32, #tpu.memory_space<vmem>> -> memref<1x128xi32, #tpu.memory_space<vmem>>
      %dma_wait3A_85 = tpu.memref_squeeze %dma_wait3A_84 : memref<1x128xi32, #tpu.memory_space<vmem>> -> memref<128xi32, #tpu.memory_space<vmem>>
      %dma_wait3A_86 = arith.constant 0 : i32
      %dma_wait3A_87 = tpu.memref_slice %arg12[%dma_wait3A_86] : memref<8192xf32, #tpu.memory_space<vmem_shared>> -> memref<8192xf32, #tpu.memory_space<vmem_shared>>
      tpu.wait_indirect_dma semaphore(%run_scoped3A_77 : memref<!tpu.dma_semaphore, #tpu.memory_space<semaphore_mem>>) src(%arg11 : memref<128xf32, #tpu.memory_space<vmem>>) dst(%dma_wait3A_87 : memref<8192xf32, #tpu.memory_space<vmem_shared>>)
      tpu.yield
    }) : () -> ()
    %run_scoped3A_22 = arith.constant 3 : i32
    "tpu.region"() ({
      %run_scoped3A_77 = tpu.sem_alloc : memref<!tpu.dma_semaphore, #tpu.memory_space<semaphore_mem>>
      %dma_start3A_78 = arith.constant 0 : i32
      %dma_start3A_79 = tpu.memref_slice %arg8[%run_scoped3A_22, %dma_start3A_78] : memref<4x128xi32, #tpu.memory_space<vmem>> -> memref<1x128xi32, #tpu.memory_space<vmem>>
      %dma_start3A_80 = tpu.memref_squeeze %dma_start3A_79 : memref<1x128xi32, #tpu.memory_space<vmem>> -> memref<128xi32, #tpu.memory_space<vmem>>
      %dma_start3A_81 = arith.constant 0 : i32
      %dma_start3A_82 = tpu.memref_slice %arg12[%dma_start3A_81] : memref<8192xf32, #tpu.memory_space<vmem_shared>> -> memref<8192xf32, #tpu.memory_space<vmem_shared>>
      tpu.enqueue_indirect_dma source(%arg11 : memref<128xf32, #tpu.memory_space<vmem>>) target(%dma_start3A_82 : memref<8192xf32, #tpu.memory_space<vmem_shared>>) offsets(%dma_start3A_80 : memref<128xi32, #tpu.memory_space<vmem>>) semaphore(%run_scoped3A_77 : memref<!tpu.dma_semaphore, #tpu.memory_space<semaphore_mem>>) {add = true}
      %dma_wait3A_83 = arith.constant 0 : i32
      %dma_wait3A_84 = tpu.memref_slice %arg8[%run_scoped3A_22, %dma_wait3A_83] : memref<4x128xi32, #tpu.memory_space<vmem>> -> memref<1x128xi32, #tpu.memory_space<vmem>>
      %dma_wait3A_85 = tpu.memref_squeeze %dma_wait3A_84 : memref<1x128xi32, #tpu.memory_space<vmem>> -> memref<128xi32, #tpu.memory_space<vmem>>
      %dma_wait3A_86 = arith.constant 0 : i32
      %dma_wait3A_87 = tpu.memref_slice %arg12[%dma_wait3A_86] : memref<8192xf32, #tpu.memory_space<vmem_shared>> -> memref<8192xf32, #tpu.memory_space<vmem_shared>>
      tpu.wait_indirect_dma semaphore(%run_scoped3A_77 : memref<!tpu.dma_semaphore, #tpu.memory_space<semaphore_mem>>) src(%arg11 : memref<128xf32, #tpu.memory_space<vmem>>) dst(%dma_wait3A_87 : memref<8192xf32, #tpu.memory_space<vmem_shared>>)
      tpu.yield
    }) : () -> ()
    %barrier3A_23 = arith.constant 0 : index
    tpu.barrier barrier_id(%barrier3A_23)
    %mul3A_24 = arith.constant 512 : i32
    %mul3A_25 = arith.muli %arg1, %mul3A_24 : i32
    %mul3A_26 = arith.constant 512 : i32
    %mul3A_27 = arith.muli %arg1, %mul3A_26 : i32
    "tpu.region"() ({
      %run_scoped3A_77 = tpu.sem_alloc : memref<!tpu.dma_semaphore, #tpu.memory_space<semaphore_mem>>
      %dma_start3A_78 = tpu.memref_slice %arg7[%arg0, %mul3A_27] : memref<2x8192xf32, #tpu.memory_space<hbm>> -> memref<1x512xf32, #tpu.memory_space<hbm>>
      %dma_start3A_79 = tpu.memref_squeeze %dma_start3A_78 : memref<1x512xf32, #tpu.memory_space<hbm>> -> memref<512xf32, #tpu.memory_space<hbm>>
      %dma_start3A_80 = tpu.memref_slice %arg12[%mul3A_25] : memref<8192xf32, #tpu.memory_space<vmem_shared>> -> memref<512xf32, #tpu.memory_space<vmem_shared>>
      tpu.enqueue_dma source(%dma_start3A_80 : memref<512xf32, #tpu.memory_space<vmem_shared>>) target(%dma_start3A_79 : memref<512xf32, #tpu.memory_space<hbm>>) target_semaphore(%run_scoped3A_77 : memref<!tpu.dma_semaphore, #tpu.memory_space<semaphore_mem>>)
      %dma_wait3A_81 = tpu.memref_slice %arg7[%arg0, %mul3A_27] : memref<2x8192xf32, #tpu.memory_space<hbm>> -> memref<1x512xf32, #tpu.memory_space<hbm>>
      %dma_wait3A_82 = tpu.memref_squeeze %dma_wait3A_81 : memref<1x512xf32, #tpu.memory_space<hbm>> -> memref<512xf32, #tpu.memory_space<hbm>>
      %dma_wait3A_83 = tpu.memref_slice %arg12[%mul3A_25] : memref<8192xf32, #tpu.memory_space<vmem_shared>> -> memref<512xf32, #tpu.memory_space<vmem_shared>>
      tpu.wait_dma2 semaphore(%run_scoped3A_77 : memref<!tpu.dma_semaphore, #tpu.memory_space<semaphore_mem>>) src(%dma_wait3A_83 : memref<512xf32, #tpu.memory_space<vmem_shared>>) dst(%dma_wait3A_82 : memref<512xf32, #tpu.memory_space<hbm>>)
      tpu.yield
    }) : () -> ()
    %dma_wait3A = arith.constant 0 : i32
    %dma_wait3A_28 = arith.constant 0 : i32
    %dma_wait3A_29 = tpu.memref_slice %arg8[%dma_wait3A, %dma_wait3A_28] : memref<4x128xi32, #tpu.memory_space<vmem>> -> memref<1x128xi32, #tpu.memory_space<vmem>>
    %dma_wait3A_30 = tpu.memref_squeeze %dma_wait3A_29 : memref<1x128xi32, #tpu.memory_space<vmem>> -> memref<128xi32, #tpu.memory_space<vmem>>
    %dma_wait3A_31 = arith.constant 0 : i32
    %dma_wait3A_32 = arith.constant 0 : i32
    %dma_wait3A_33 = tpu.memref_slice %arg2[%dma_wait3A_31, %dma_wait3A_32] : memref<8192x256xf32, #tpu.memory_space<hbm>> -> memref<8192x256xf32, #tpu.memory_space<hbm>>
    tpu.wait_indirect_dma semaphore(%arg13 : memref<!tpu.dma_semaphore, #tpu.memory_space<semaphore_mem>>) src(%dma_wait3A_33 : memref<8192x256xf32, #tpu.memory_space<hbm>>) dst(%arg9 : memref<128x256xf32, #tpu.memory_space<vmem>>)
    %add3A_34 = arith.constant 0 : i32
    %add3A_35 = arith.addi %mul3A_2, %add3A_34 : i32
    "tpu.region"() ({
      %run_scoped3A_77 = tpu.sem_alloc : memref<!tpu.dma_semaphore, #tpu.memory_space<semaphore_mem>>
      %dma_start3A_78 = arith.constant 0 : i32
      %dma_start3A_79 = tpu.memref_slice %arg6[%add3A_35, %dma_start3A_78] : memref<16384x256xf32, #tpu.memory_space<hbm>> -> memref<128x256xf32, #tpu.memory_space<hbm>>
      %dma_start3A_80 = arith.constant 0 : i32
      %dma_start3A_81 = tpu.memref_slice %arg6[%add3A_35, %dma_start3A_80] : memref<16384x256xf32, #tpu.memory_space<hbm>> -> memref<128x256xf32, #tpu.memory_space<hbm>>
      tpu.enqueue_dma source(%arg9 : memref<128x256xf32, #tpu.memory_space<vmem>>) target(%dma_start3A_81 : memref<128x256xf32, #tpu.memory_space<hbm>>) target_semaphore(%run_scoped3A_77 : memref<!tpu.dma_semaphore, #tpu.memory_space<semaphore_mem>>)
      %dma_wait3A_82 = arith.constant 0 : i32
      %dma_wait3A_83 = tpu.memref_slice %arg6[%add3A_35, %dma_wait3A_82] : memref<16384x256xf32, #tpu.memory_space<hbm>> -> memref<128x256xf32, #tpu.memory_space<hbm>>
      %dma_wait3A_84 = arith.constant 0 : i32
      %dma_wait3A_85 = tpu.memref_slice %arg6[%add3A_35, %dma_wait3A_84] : memref<16384x256xf32, #tpu.memory_space<hbm>> -> memref<128x256xf32, #tpu.memory_space<hbm>>
      tpu.wait_dma2 semaphore(%run_scoped3A_77 : memref<!tpu.dma_semaphore, #tpu.memory_space<semaphore_mem>>) src(%arg9 : memref<128x256xf32, #tpu.memory_space<vmem>>) dst(%dma_wait3A_85 : memref<128x256xf32, #tpu.memory_space<hbm>>)
      tpu.yield
    }) : () -> ()
    %dma_start3A_36 = arith.constant 2 : i32
    %dma_start3A_37 = arith.constant 0 : i32
    %dma_start3A_38 = tpu.memref_slice %arg8[%dma_start3A_36, %dma_start3A_37] : memref<4x128xi32, #tpu.memory_space<vmem>> -> memref<1x128xi32, #tpu.memory_space<vmem>>
    %dma_start3A_39 = tpu.memref_squeeze %dma_start3A_38 : memref<1x128xi32, #tpu.memory_space<vmem>> -> memref<128xi32, #tpu.memory_space<vmem>>
    %dma_start3A_40 = arith.constant 0 : i32
    %dma_start3A_41 = arith.constant 0 : i32
    %dma_start3A_42 = tpu.memref_slice %arg2[%dma_start3A_40, %dma_start3A_41] : memref<8192x256xf32, #tpu.memory_space<hbm>> -> memref<8192x256xf32, #tpu.memory_space<hbm>>
    tpu.enqueue_indirect_dma source(%dma_start3A_42 : memref<8192x256xf32, #tpu.memory_space<hbm>>) target(%arg9 : memref<128x256xf32, #tpu.memory_space<vmem>>) offsets(%dma_start3A_39 : memref<128xi32, #tpu.memory_space<vmem>>) semaphore(%arg13 : memref<!tpu.dma_semaphore, #tpu.memory_space<semaphore_mem>>)
    %dma_wait3A_43 = arith.constant 1 : i32
    %dma_wait3A_44 = arith.constant 0 : i32
    %dma_wait3A_45 = tpu.memref_slice %arg8[%dma_wait3A_43, %dma_wait3A_44] : memref<4x128xi32, #tpu.memory_space<vmem>> -> memref<1x128xi32, #tpu.memory_space<vmem>>
    %dma_wait3A_46 = tpu.memref_squeeze %dma_wait3A_45 : memref<1x128xi32, #tpu.memory_space<vmem>> -> memref<128xi32, #tpu.memory_space<vmem>>
    %dma_wait3A_47 = arith.constant 0 : i32
    %dma_wait3A_48 = arith.constant 0 : i32
    %dma_wait3A_49 = tpu.memref_slice %arg2[%dma_wait3A_47, %dma_wait3A_48] : memref<8192x256xf32, #tpu.memory_space<hbm>> -> memref<8192x256xf32, #tpu.memory_space<hbm>>
    tpu.wait_indirect_dma semaphore(%arg14 : memref<!tpu.dma_semaphore, #tpu.memory_space<semaphore_mem>>) src(%dma_wait3A_49 : memref<8192x256xf32, #tpu.memory_space<hbm>>) dst(%arg10 : memref<128x256xf32, #tpu.memory_space<vmem>>)
    %add3A_50 = arith.constant 128 : i32
    %add3A_51 = arith.addi %mul3A_2, %add3A_50 : i32
    "tpu.region"() ({
      %run_scoped3A_77 = tpu.sem_alloc : memref<!tpu.dma_semaphore, #tpu.memory_space<semaphore_mem>>
      %dma_start3A_78 = arith.constant 0 : i32
      %dma_start3A_79 = tpu.memref_slice %arg6[%add3A_51, %dma_start3A_78] : memref<16384x256xf32, #tpu.memory_space<hbm>> -> memref<128x256xf32, #tpu.memory_space<hbm>>
      %dma_start3A_80 = arith.constant 0 : i32
      %dma_start3A_81 = tpu.memref_slice %arg6[%add3A_51, %dma_start3A_80] : memref<16384x256xf32, #tpu.memory_space<hbm>> -> memref<128x256xf32, #tpu.memory_space<hbm>>
      tpu.enqueue_dma source(%arg10 : memref<128x256xf32, #tpu.memory_space<vmem>>) target(%dma_start3A_81 : memref<128x256xf32, #tpu.memory_space<hbm>>) target_semaphore(%run_scoped3A_77 : memref<!tpu.dma_semaphore, #tpu.memory_space<semaphore_mem>>)
      %dma_wait3A_82 = arith.constant 0 : i32
      %dma_wait3A_83 = tpu.memref_slice %arg6[%add3A_51, %dma_wait3A_82] : memref<16384x256xf32, #tpu.memory_space<hbm>> -> memref<128x256xf32, #tpu.memory_space<hbm>>
      %dma_wait3A_84 = arith.constant 0 : i32
      %dma_wait3A_85 = tpu.memref_slice %arg6[%add3A_51, %dma_wait3A_84] : memref<16384x256xf32, #tpu.memory_space<hbm>> -> memref<128x256xf32, #tpu.memory_space<hbm>>
      tpu.wait_dma2 semaphore(%run_scoped3A_77 : memref<!tpu.dma_semaphore, #tpu.memory_space<semaphore_mem>>) src(%arg10 : memref<128x256xf32, #tpu.memory_space<vmem>>) dst(%dma_wait3A_85 : memref<128x256xf32, #tpu.memory_space<hbm>>)
      tpu.yield
    }) : () -> ()
    %dma_start3A_52 = arith.constant 3 : i32
    %dma_start3A_53 = arith.constant 0 : i32
    %dma_start3A_54 = tpu.memref_slice %arg8[%dma_start3A_52, %dma_start3A_53] : memref<4x128xi32, #tpu.memory_space<vmem>> -> memref<1x128xi32, #tpu.memory_space<vmem>>
    %dma_start3A_55 = tpu.memref_squeeze %dma_start3A_54 : memref<1x128xi32, #tpu.memory_space<vmem>> -> memref<128xi32, #tpu.memory_space<vmem>>
    %dma_start3A_56 = arith.constant 0 : i32
    %dma_start3A_57 = arith.constant 0 : i32
    %dma_start3A_58 = tpu.memref_slice %arg2[%dma_start3A_56, %dma_start3A_57] : memref<8192x256xf32, #tpu.memory_space<hbm>> -> memref<8192x256xf32, #tpu.memory_space<hbm>>
    tpu.enqueue_indirect_dma source(%dma_start3A_58 : memref<8192x256xf32, #tpu.memory_space<hbm>>) target(%arg10 : memref<128x256xf32, #tpu.memory_space<vmem>>) offsets(%dma_start3A_55 : memref<128xi32, #tpu.memory_space<vmem>>) semaphore(%arg14 : memref<!tpu.dma_semaphore, #tpu.memory_space<semaphore_mem>>)
    %dma_wait3A_59 = arith.constant 2 : i32
    %dma_wait3A_60 = arith.constant 0 : i32
    %dma_wait3A_61 = tpu.memref_slice %arg8[%dma_wait3A_59, %dma_wait3A_60] : memref<4x128xi32, #tpu.memory_space<vmem>> -> memref<1x128xi32, #tpu.memory_space<vmem>>
    %dma_wait3A_62 = tpu.memref_squeeze %dma_wait3A_61 : memref<1x128xi32, #tpu.memory_space<vmem>> -> memref<128xi32, #tpu.memory_space<vmem>>
    %dma_wait3A_63 = arith.constant 0 : i32
    %dma_wait3A_64 = arith.constant 0 : i32
    %dma_wait3A_65 = tpu.memref_slice %arg2[%dma_wait3A_63, %dma_wait3A_64] : memref<8192x256xf32, #tpu.memory_space<hbm>> -> memref<8192x256xf32, #tpu.memory_space<hbm>>
    tpu.wait_indirect_dma semaphore(%arg13 : memref<!tpu.dma_semaphore, #tpu.memory_space<semaphore_mem>>) src(%dma_wait3A_65 : memref<8192x256xf32, #tpu.memory_space<hbm>>) dst(%arg9 : memref<128x256xf32, #tpu.memory_space<vmem>>)
    %add3A_66 = arith.constant 256 : i32
    %add3A_67 = arith.addi %mul3A_2, %add3A_66 : i32
    "tpu.region"() ({
      %run_scoped3A_77 = tpu.sem_alloc : memref<!tpu.dma_semaphore, #tpu.memory_space<semaphore_mem>>
      %dma_start3A_78 = arith.constant 0 : i32
      %dma_start3A_79 = tpu.memref_slice %arg6[%add3A_67, %dma_start3A_78] : memref<16384x256xf32, #tpu.memory_space<hbm>> -> memref<128x256xf32, #tpu.memory_space<hbm>>
      %dma_start3A_80 = arith.constant 0 : i32
      %dma_start3A_81 = tpu.memref_slice %arg6[%add3A_67, %dma_start3A_80] : memref<16384x256xf32, #tpu.memory_space<hbm>> -> memref<128x256xf32, #tpu.memory_space<hbm>>
      tpu.enqueue_dma source(%arg9 : memref<128x256xf32, #tpu.memory_space<vmem>>) target(%dma_start3A_81 : memref<128x256xf32, #tpu.memory_space<hbm>>) target_semaphore(%run_scoped3A_77 : memref<!tpu.dma_semaphore, #tpu.memory_space<semaphore_mem>>)
      %dma_wait3A_82 = arith.constant 0 : i32
      %dma_wait3A_83 = tpu.memref_slice %arg6[%add3A_67, %dma_wait3A_82] : memref<16384x256xf32, #tpu.memory_space<hbm>> -> memref<128x256xf32, #tpu.memory_space<hbm>>
      %dma_wait3A_84 = arith.constant 0 : i32
      %dma_wait3A_85 = tpu.memref_slice %arg6[%add3A_67, %dma_wait3A_84] : memref<16384x256xf32, #tpu.memory_space<hbm>> -> memref<128x256xf32, #tpu.memory_space<hbm>>
      tpu.wait_dma2 semaphore(%run_scoped3A_77 : memref<!tpu.dma_semaphore, #tpu.memory_space<semaphore_mem>>) src(%arg9 : memref<128x256xf32, #tpu.memory_space<vmem>>) dst(%dma_wait3A_85 : memref<128x256xf32, #tpu.memory_space<hbm>>)
      tpu.yield
    }) : () -> ()
    %dma_wait3A_68 = arith.constant 3 : i32
    %dma_wait3A_69 = arith.constant 0 : i32
    %dma_wait3A_70 = tpu.memref_slice %arg8[%dma_wait3A_68, %dma_wait3A_69] : memref<4x128xi32, #tpu.memory_space<vmem>> -> memref<1x128xi32, #tpu.memory_space<vmem>>
    %dma_wait3A_71 = tpu.memref_squeeze %dma_wait3A_70 : memref<1x128xi32, #tpu.memory_space<vmem>> -> memref<128xi32, #tpu.memory_space<vmem>>
    %dma_wait3A_72 = arith.constant 0 : i32
    %dma_wait3A_73 = arith.constant 0 : i32
    %dma_wait3A_74 = tpu.memref_slice %arg2[%dma_wait3A_72, %dma_wait3A_73] : memref<8192x256xf32, #tpu.memory_space<hbm>> -> memref<8192x256xf32, #tpu.memory_space<hbm>>
    tpu.wait_indirect_dma semaphore(%arg14 : memref<!tpu.dma_semaphore, #tpu.memory_space<semaphore_mem>>) src(%dma_wait3A_74 : memref<8192x256xf32, #tpu.memory_space<hbm>>) dst(%arg10 : memref<128x256xf32, #tpu.memory_space<vmem>>)
    %add3A_75 = arith.constant 384 : i32
    %add3A_76 = arith.addi %mul3A_2, %add3A_75 : i32
    "tpu.region"() ({
      %run_scoped3A_77 = tpu.sem_alloc : memref<!tpu.dma_semaphore, #tpu.memory_space<semaphore_mem>>
      %dma_start3A_78 = arith.constant 0 : i32
      %dma_start3A_79 = tpu.memref_slice %arg6[%add3A_76, %dma_start3A_78] : memref<16384x256xf32, #tpu.memory_space<hbm>> -> memref<128x256xf32, #tpu.memory_space<hbm>>
      %dma_start3A_80 = arith.constant 0 : i32
      %dma_start3A_81 = tpu.memref_slice %arg6[%add3A_76, %dma_start3A_80] : memref<16384x256xf32, #tpu.memory_space<hbm>> -> memref<128x256xf32, #tpu.memory_space<hbm>>
      tpu.enqueue_dma source(%arg10 : memref<128x256xf32, #tpu.memory_space<vmem>>) target(%dma_start3A_81 : memref<128x256xf32, #tpu.memory_space<hbm>>) target_semaphore(%run_scoped3A_77 : memref<!tpu.dma_semaphore, #tpu.memory_space<semaphore_mem>>)
      %dma_wait3A_82 = arith.constant 0 : i32
      %dma_wait3A_83 = tpu.memref_slice %arg6[%add3A_76, %dma_wait3A_82] : memref<16384x256xf32, #tpu.memory_space<hbm>> -> memref<128x256xf32, #tpu.memory_space<hbm>>
      %dma_wait3A_84 = arith.constant 0 : i32
      %dma_wait3A_85 = tpu.memref_slice %arg6[%add3A_76, %dma_wait3A_84] : memref<16384x256xf32, #tpu.memory_space<hbm>> -> memref<128x256xf32, #tpu.memory_space<hbm>>
      tpu.wait_dma2 semaphore(%run_scoped3A_77 : memref<!tpu.dma_semaphore, #tpu.memory_space<semaphore_mem>>) src(%arg10 : memref<128x256xf32, #tpu.memory_space<vmem>>) dst(%dma_wait3A_85 : memref<128x256xf32, #tpu.memory_space<hbm>>)
      tpu.yield
    }) : () -> ()
    return
  }
}

module attributes {stable_mosaic.version = 14 : i64} {
  func.func @_cbnorm_body(%arg0: memref<8192x256xf32, #tpu.memory_space<vmem>>, %arg1: memref<8192x256xf32, #tpu.memory_space<vmem>>, %arg2: memref<8192x256xbf16, #tpu.memory_space<vmem>>) attributes {dimension_semantics = [], scalar_prefetch = 0 : i64, scratch_operands = 0 : i64, tpu.core_type = #tpu.core_type<tc>} {
    %get3A = arith.constant 0 : index
    %get3A_0 = arith.constant 0 : index
    %get3A_1 = vector.load %arg0[%get3A, %get3A_0] : memref<8192x256xf32, #tpu.memory_space<vmem>>, vector<8192x256xf32>
    %mul3A = arith.mulf %get3A_1, %get3A_1 : vector<8192x256xf32>
    %reduce_sum3A = arith.constant dense<0.000000e+00> : vector<8192xf32>
    %reduce_sum3A_2 = vector.multi_reduction <add>, %mul3A, %reduce_sum3A [1] : vector<8192x256xf32> to vector<8192xf32>
    %broadcast_in_dim3A = vector.shape_cast %reduce_sum3A_2 : vector<8192xf32> to vector<8192x1xf32>
    %sqrt3A = math.sqrt %broadcast_in_dim3A : vector<8192x1xf32>
    %max3A = arith.constant 9.99999996E-13 : f32
    %max3A_3 = vector.broadcast %max3A : f32 to vector<8192x1xf32>
    %max3A_4 = arith.maximumf %sqrt3A, %max3A_3 : vector<8192x1xf32>
    %div3A = vector.broadcast %max3A_4 : vector<8192x1xf32> to vector<8192x256xf32>
    %div3A_5 = arith.divf %get3A_1, %div3A : vector<8192x256xf32>
    %swap3A = arith.constant 0 : index
    %swap3A_6 = arith.constant 0 : index
    %swap3A_7 = vector.load %arg1[%swap3A, %swap3A_6] : memref<8192x256xf32, #tpu.memory_space<vmem>>, vector<8192x256xf32>
    tpu.vector_store %arg1[%swap3A, %swap3A_6], %div3A_5 {strides = array<i32>} : memref<8192x256xf32, #tpu.memory_space<vmem>>, vector<8192x256xf32>,
    %convert_element_type3A = arith.truncf %div3A_5 : vector<8192x256xf32> to vector<8192x256xbf16>
    %swap3A_8 = arith.constant 0 : index
    %swap3A_9 = arith.constant 0 : index
    %swap3A_10 = vector.load %arg2[%swap3A_8, %swap3A_9] : memref<8192x256xbf16, #tpu.memory_space<vmem>>, vector<8192x256xbf16>
    tpu.vector_store %arg2[%swap3A_8, %swap3A_9], %convert_element_type3A {strides = array<i32>} : memref<8192x256xbf16, #tpu.memory_space<vmem>>, vector<8192x256xbf16>,
    return
  }
}

module attributes {stable_mosaic.version = 14 : i64} {
  func.func @_vq_body(%arg0: i32, %arg1: memref<1024x256xf32, #tpu.memory_space<vmem>>, %arg2: memref<8192x256xbf16, #tpu.memory_space<vmem>>, %arg3: memref<1x8x128xi32, #tpu.memory_space<vmem>>, %arg4: memref<1x1xf32, #tpu.memory_space<vmem>>) attributes {dimension_semantics = [#tpu.dimension_semantics<arbitrary>], iteration_bounds = array<i64: 16>, scalar_prefetch = 0 : i64, scratch_operands = 0 : i64, tpu.core_type = #tpu.core_type<tc>, window_params = [{transform_indices = @transform_0, window_bounds = array<i64: 1024, 256>}, {pipeline_mode = #tpu.pipeline_mode<synchronous>, transform_indices = @transform_1, window_bounds = array<i64: 8192, 256>}, {transform_indices = @transform_2, window_bounds = array<i64: 1, 8, 128>}, {pipeline_mode = #tpu.pipeline_mode<synchronous>, transform_indices = @transform_3, window_bounds = array<i64: 1, 1>}]} {
    %eq3A = arith.constant 0 : i32
    %eq3A_0 = arith.cmpi eq, %arg0, %eq3A : i32
    %convert_element_type3A = arith.extui %eq3A_0 : i1 to i32
    %cond3A = arith.constant 0 : i32
    %cond3A_1 = arith.cmpi ne, %convert_element_type3A, %cond3A : i32
    scf.if %cond3A_1 {
      %broadcast_in_dim3A_31 = arith.constant 0.000000e+00 : f32
      %broadcast_in_dim3A_32 = vector.broadcast %broadcast_in_dim3A_31 : f32 to vector<1x1xf32>
      %swap3A_33 = arith.constant 0 : index
      %swap3A_34 = arith.constant 0 : index
      %swap3A_35 = vector.load %arg4[%swap3A_33, %swap3A_34] : memref<1x1xf32, #tpu.memory_space<vmem>>, vector<1x1xf32>
      tpu.vector_store %arg4[%swap3A_33, %swap3A_34], %broadcast_in_dim3A_32 {strides = array<i32>} : memref<1x1xf32, #tpu.memory_space<vmem>>, vector<1x1xf32>,
    } else {
    }
    %get3A = arith.constant 0 : index
    %get3A_2 = arith.constant 0 : index
    %get3A_3 = vector.load %arg1[%get3A, %get3A_2] : memref<1024x256xf32, #tpu.memory_space<vmem>>, vector<1024x256xf32>
    %mul3A = arith.mulf %get3A_3, %get3A_3 : vector<1024x256xf32>
    %reduce_sum3A = arith.constant dense<0.000000e+00> : vector<1024xf32>
    %reduce_sum3A_4 = vector.multi_reduction <add>, %mul3A, %reduce_sum3A [1] : vector<1024x256xf32> to vector<1024xf32>
    %broadcast_in_dim3A = vector.shape_cast %reduce_sum3A_4 : vector<1024xf32> to vector<1024x1xf32>
    %sqrt3A = math.sqrt %broadcast_in_dim3A : vector<1024x1xf32>
    %max3A = arith.constant 9.99999996E-13 : f32
    %max3A_5 = vector.broadcast %max3A : f32 to vector<1024x1xf32>
    %max3A_6 = arith.maximumf %sqrt3A, %max3A_5 : vector<1024x1xf32>
    %div3A = vector.broadcast %max3A_6 : vector<1024x1xf32> to vector<1024x256xf32>
    %div3A_7 = arith.divf %get3A_3, %div3A : vector<1024x256xf32>
    %get3A_8 = arith.constant 0 : index
    %get3A_9 = arith.constant 0 : index
    %get3A_10 = vector.load %arg2[%get3A_8, %get3A_9] : memref<8192x256xbf16, #tpu.memory_space<vmem>>, vector<8192x256xbf16>
    %convert_element_type3A_11 = arith.truncf %div3A_7 : vector<1024x256xf32> to vector<1024x256xbf16>
    %dot_general3A = arith.constant dense<0.000000e+00> : vector<8192x1024xf32>
    %dot_general3A_12 = tpu.matmul %get3A_10, %convert_element_type3A_11, %dot_general3A {dimension_numbers = #tpu.dot_dimension_numbers<[1], [1], [0], [0], [0, 0, 1, 0], [], []>, transpose_lhs_hint = false} : vector<8192x256xbf16>, vector<1024x256xbf16>, vector<8192x1024xf32> -> vector<8192x1024xf32>
    %reduce_max3A = arith.constant dense<0xFF800000> : vector<1024xf32>
    %reduce_max3A_13 = vector.multi_reduction <maximumf>, %dot_general3A_12, %reduce_max3A [0] : vector<8192x1024xf32> to vector<1024xf32>
    %argmax3A = tpu.reduce_index %dot_general3A_12 {axis = 0 : i32, kind = #tpu.reduction_kind<arg_max>} : vector<8192x1024xf32> -> vector<1024xi32>
    %reshape3A = vector.shape_cast %argmax3A : vector<1024xi32> to vector<8x128xi32>
    %swap3A = arith.constant 0 : index
    %swap3A_14 = arith.constant 0 : index
    %swap3A_15 = arith.constant 0 : index
    %swap3A_16 = vector.load %arg3[%swap3A, %swap3A_14, %swap3A_15] : memref<1x8x128xi32, #tpu.memory_space<vmem>>, vector<1x8x128xi32>
    %swap3A_17 = vector.shape_cast %swap3A_16 : vector<1x8x128xi32> to vector<8x128xi32>
    %swap3A_18 = vector.shape_cast %reshape3A : vector<8x128xi32> to vector<1x8x128xi32>
    tpu.vector_store %arg3[%swap3A, %swap3A_14, %swap3A_15], %swap3A_18 {strides = array<i32>} : memref<1x8x128xi32, #tpu.memory_space<vmem>>, vector<1x8x128xi32>,
    %get3A_19 = arith.constant 0 : index
    %get3A_20 = arith.constant 0 : index
    %get3A_21 = vector.load %arg4[%get3A_19, %get3A_20] : memref<1x1xf32, #tpu.memory_space<vmem>>, vector<1x1xf32>
    %reduce_sum3A_22 = vector.shape_cast %reduce_max3A_13 : vector<1024xf32> to vector<1x1024xf32>
    %reduce_sum3A_23 = arith.constant dense<0.000000e+00> : vector<1xf32>
    %reduce_sum3A_24 = vector.multi_reduction <add>, %reduce_sum3A_22, %reduce_sum3A_23 [1] : vector<1x1024xf32> to vector<1xf32>
    %reduce_sum3A_25 = vector.shape_cast %reduce_sum3A_24 : vector<1xf32> to vector<1x1xf32>
    %reduce_sum3A_26 = vector.extract %reduce_sum3A_25[0, 0] : f32 from vector<1x1xf32>
    %reshape3A_27 = vector.broadcast %reduce_sum3A_26 : f32 to vector<1x1xf32>
    %add3A = arith.addf %get3A_21, %reshape3A_27 : vector<1x1xf32>
    %swap3A_28 = arith.constant 0 : index
    %swap3A_29 = arith.constant 0 : index
    %swap3A_30 = vector.load %arg4[%swap3A_28, %swap3A_29] : memref<1x1xf32, #tpu.memory_space<vmem>>, vector<1x1xf32>
    tpu.vector_store %arg4[%swap3A_28, %swap3A_29], %add3A {strides = array<i32>} : memref<1x1xf32, #tpu.memory_space<vmem>>, vector<1x1xf32>,
    return
  }
  func.func @transform_0(%arg0: i32) -> (i32, i32) {
    %c0_i32 = arith.constant 0 : i32
    %c0_i32_0 = arith.constant 0 : i32
    return %arg0, %c0_i32 : i32, i32
  }
  func.func @transform_1(%arg0: i32) -> (i32, i32) {
    %c0_i32 = arith.constant 0 : i32
    %c0_i32_0 = arith.constant 0 : i32
    %c0_i32_1 = arith.constant 0 : i32
    return %c0_i32, %c0_i32_0 : i32, i32
  }
  func.func @transform_2(%arg0: i32) -> (i32, i32, i32) {
    %c0_i32 = arith.constant 0 : i32
    %c0_i32_0 = arith.constant 0 : i32
    %c0_i32_1 = arith.constant 0 : i32
    return %arg0, %c0_i32, %c0_i32_0 : i32, i32, i32
  }
  func.func @transform_3(%arg0: i32) -> (i32, i32) {
    %c0_i32 = arith.constant 0 : i32
    %c0_i32_0 = arith.constant 0 : i32
    %c0_i32_1 = arith.constant 0 : i32
    return %c0_i32, %c0_i32_0 : i32, i32
  }
}

module attributes {stable_mosaic.version = 14 : i64} {
  func.func @_fin_body(%arg0: memref<2x8192xf32, #tpu.memory_space<vmem>>, %arg1: memref<1x1xf32, #tpu.memory_space<vmem>>, %arg2: memref<1x1xf32, #tpu.memory_space<vmem>>, %arg3: memref<1x1xf32, #tpu.memory_space<vmem>>) attributes {dimension_semantics = [], scalar_prefetch = 0 : i64, scratch_operands = 0 : i64, tpu.core_type = #tpu.core_type<tc>} {
    %get3A = arith.constant 0 : index
    %get3A_0 = arith.constant 0 : index
    %get3A_1 = vector.load %arg0[%get3A, %get3A_0] : memref<2x8192xf32, #tpu.memory_space<vmem>>, vector<2x8192xf32>
    %slice3A = vector.extract_strided_slice %get3A_1 {offsets = [0, 0], sizes = [1, 8192], strides = [1, 1]} : vector<2x8192xf32> to vector<1x8192xf32>
    %squeeze3A = vector.shape_cast %slice3A : vector<1x8192xf32> to vector<8192xf32>
    %slice3A_2 = vector.extract_strided_slice %get3A_1 {offsets = [1, 0], sizes = [1, 8192], strides = [1, 1]} : vector<2x8192xf32> to vector<1x8192xf32>
    %squeeze3A_3 = vector.shape_cast %slice3A_2 : vector<1x8192xf32> to vector<8192xf32>
    %add3A = arith.addf %squeeze3A, %squeeze3A_3 : vector<8192xf32>
    %reshape3A = vector.shape_cast %add3A : vector<8192xf32> to vector<1x8192xf32>
    %mul3A = arith.constant 6.10351563E-5 : f32
    %mul3A_4 = vector.broadcast %mul3A : f32 to vector<1x8192xf32>
    %mul3A_5 = arith.mulf %reshape3A, %mul3A_4 : vector<1x8192xf32>
    %add3A_6 = arith.constant 1.000000e-10 : f32
    %add3A_7 = vector.broadcast %add3A_6 : f32 to vector<1x8192xf32>
    %add3A_8 = arith.addf %mul3A_5, %add3A_7 : vector<1x8192xf32>
    %log3A = math.log %add3A_8 : vector<1x8192xf32>
    %mul3A_9 = arith.mulf %mul3A_5, %log3A : vector<1x8192xf32>
    %reduce_sum3A = vector.shape_cast %mul3A_9 : vector<1x8192xf32> to vector<1x1x8192xf32>
    %reduce_sum3A_10 = arith.constant dense<0.000000e+00> : vector<1xf32>
    %reduce_sum3A_11 = vector.multi_reduction <add>, %reduce_sum3A, %reduce_sum3A_10 [1, 2] : vector<1x1x8192xf32> to vector<1xf32>
    %reduce_sum3A_12 = vector.shape_cast %reduce_sum3A_11 : vector<1xf32> to vector<1x1x1xf32>
    %reduce_sum3A_13 = vector.extract %reduce_sum3A_12[0, 0, 0] : f32 from vector<1x1x1xf32>
    %neg3A = arith.constant 0.000000e+00 : f32
    %neg3A_14 = arith.subf %neg3A, %reduce_sum3A_13 : f32
    %exp3A = math.exp %neg3A_14 : f32
    %reshape3A_15 = vector.broadcast %exp3A : f32 to vector<1x1xf32>
    %swap3A = arith.constant 0 : index
    %swap3A_16 = arith.constant 0 : index
    %swap3A_17 = vector.load %arg3[%swap3A, %swap3A_16] : memref<1x1xf32, #tpu.memory_space<vmem>>, vector<1x1xf32>
    tpu.vector_store %arg3[%swap3A, %swap3A_16], %reshape3A_15 {strides = array<i32>} : memref<1x1xf32, #tpu.memory_space<vmem>>, vector<1x1xf32>,
    %get3A_18 = arith.constant 0 : index
    %get3A_19 = arith.constant 0 : index
    %get3A_20 = vector.load %arg1[%get3A_18, %get3A_19] : memref<1x1xf32, #tpu.memory_space<vmem>>, vector<1x1xf32>
    %get3A_21 = vector.extract %get3A_20[0, 0] : f32 from vector<1x1xf32>
    %mul3A_22 = arith.constant 2.000000e+00 : f32
    %mul3A_23 = arith.mulf %mul3A_22, %get3A_21 : f32
    %sub3A = arith.constant 3.276800e+04 : f32
    %sub3A_24 = arith.subf %sub3A, %mul3A_23 : f32
    %div3A = arith.constant 0x4A800000 : f32
    %div3A_25 = arith.divf %sub3A_24, %div3A : f32
    %mul3A_26 = arith.constant 1.250000e+00 : f32
    %mul3A_27 = arith.mulf %mul3A_26, %div3A_25 : f32
    %reshape3A_28 = vector.broadcast %mul3A_27 : f32 to vector<1x1xf32>
    %swap3A_29 = arith.constant 0 : index
    %swap3A_30 = arith.constant 0 : index
    %swap3A_31 = vector.load %arg2[%swap3A_29, %swap3A_30] : memref<1x1xf32, #tpu.memory_space<vmem>>, vector<1x1xf32>
    tpu.vector_store %arg2[%swap3A_29, %swap3A_30], %reshape3A_28 {strides = array<i32>} : memref<1x1xf32, #tpu.memory_space<vmem>>, vector<1x1xf32>,
    return
  }
}

</mosaic_0001>

<sc_bundles>
// kernel: kernel.6.cloned.1.call-start
scs
__scs_entry_jumppad:
0x0: {  	(pc) =	sbr.rel $0x88, $3  }
0x1: {  	(tag) =	ssettag $0x0;
	lr =	simm.s32 $0x1  }
0x2: {  	[smem:$0x3F9F] =	sst lr;
	_ =	strace $0xD0000000  }
0x3: {  	_ = 	snop  }
0x4: {  	_ = 	snop  }
0x5: {  	_ = 	snop  }
0x6: {  	_ = 	snop  }
0x7: {  	_ = 	snop  }
__scs_overlays_trampoline_lowered:
0x8: {  	[smem:$0x3FAE] =	sst s0  }
0x9: {  	[smem:$0x3FAF] =	sst s1  }
0xa: {  	[smem:$0x3FB0] =	sst s2  }
0xb: {  	[smem:$0x3FB1] =	sst s3  }
0xc: {  	[smem:$0x3FB2] =	sst s4  }
0xd: {  	[smem:$0x3FB3] =	sst s5  }
0xe: {  	[smem:$0x3FB4] =	sst s6  }
0xf: {  	[smem:$0x3FB5] =	sst s7  }
0x10: {  	[smem:$0x3FB6] =	sst s8  }
0x11: {  	[smem:$0x3FB7] =	sst s9;
	s0 =	simm.s32 @!p0 $0x0  }
0x12: {  	s1 =	sld [smem:$0x3F9D];
	s0 =	simm.s32 @p0 $0x1  }
0x13: {  	[smem:$0x3FB8] =	sst s0;
	s0 =	simm.s32 @!p1 $0x0  }
0x14: {  	s2 =	sld [smem:$0x3F9C];
	s0 =	simm.s32 @p1 $0x1  }
0x15: {  	[smem:$0x3FB9] =	sst s0;
	s0 =	simm.s32 @!p2 $0x0  }
0x16: {  	s3 =	sld [smem:$0x3FDB];
	s0 =	simm.s32 @p2 $0x1  }
0x17: {  	s4 =	simm.s32 $0x1BF5;
	[smem:$0x3FBB] =	sst s0  }
0x18: {  	s0 =	sld [smem:$0x3F9E];
	_ =	swait.ge [sflag:s4], $0x0  }
0x19: {  	s7 =	sld [smem:$0x3F9F]  }
0x1a: {  	s8 =	sadd.s32 $0xFFFFE003, lr  }
0x1b: {  	s9 =	sadd.s32 $0xFFFFFEF7, lr;
	s5 =	simm.s32 $0xFFFFFFFF;
	p2 =	slt.u32 s8, $0xFFFFF086  }
0x1c: {  	p1 =	slt.u32 s9, $0xF7A;
	s5 =	simm.s32 @!p2 $0x0  }
0x1d: {  	s5 =	simm.s32 @p1 $0x1;
	p0 =	seq.s32 s7, s2  }
0x1e: {  	s7 =	smul.u32 @!p0 $0xF7A, s2;
	p2 =	seq.s32 @!p0 s5, $0x0  }
0x1f: {  	s9 =	smul.u32 $0xF7A, s1;
	s8 =	simm.s32 @!p0 $0x1BF5;
	p2 =	por !p2, p0  }
0x20: {  	[sflag:s8] =	ssyncset.s32 @!p0 $0xFFFFF086;
	s6 =	sadd.s32 @!p0 s3, s7;
	s7 =	simm.s32 @!p0 $0x108  }
0x21: {  	s3 =	sadd.s32 s3, s9;
	s6 =	sadd.s32 @!p0 $0x88, s6;
	s7 =	simm.s32 @p2 $0x1082  }
0x22: {  	[simem:s7], [sflag:s8] =	dma.local @!p0 [hbm:s6], $0xF7A  }
0x23: {  	s9 =	sor.u32 $0xD0000000, s2;
	s6 =	simm.s32 $0x108;
	_ =	swait.ge @!p0 [sflag:s8], $0x0  }
0x24: {  	s3 =	sadd.s32 $0x88, s3;
	s6 =	simm.s32 @!p1 $0x1082;
	[sflag:s4] =	ssyncset.s32 $0xFFFFF086  }
0x25: {  	[simem:s6], [sflag:s4] =	dma.local [hbm:s3], $0xF7A  }
0x26: {  	[smem:$0x3F9F] =	sst s1;
	(tag) =	ssettag s2;
	_ =	strace s9  }
0x27: {  	s1 =	sld [smem:$0x3FAF]  }
0x28: {  	s2 =	sld [smem:$0x3FB0]  }
0x29: {  	s4 =	sld [smem:$0x3FB2]  }
0x2a: {  	p0 =	seq.s32 s5, $0x0;
	s5 =	sld [smem:$0x3FB3]  }
0x2b: {  	s6 =	sld [smem:$0x3FB4]  }
0x2c: {  	s7 =	sld [smem:$0x3FB5]  }
0x2d: {  	s3 =	simm.s32 $0x108;
	s8 =	sld [smem:$0x3FB6]  }
0x2e: {  	s3 =	simm.s32 @!p0 $0x1082;
	s9 =	sld [smem:$0x3FB7]  }
0x2f: {  	lr =	sadd.s32 s0, s3;
	s0 =	sld [smem:$0x3FAE]  }
0x30: {  	s3 =	sld [smem:$0x3FB1]  }
0x31: {  	[smem:$0x3FBA] =	sst s10  }
0x32: {  	s10 =	sld [smem:$0x3FB8];
	_ =	sdelay $0x3  }
0x33: {  	p0 =	seq.s32 s10, $0x1;
	s10 =	sld [smem:$0x3FBA];
	_ =	sdelay $0x3  }
0x34: {  	[smem:$0x3FBA] =	sst s10  }
0x35: {  	s10 =	sld [smem:$0x3FB9];
	_ =	sdelay $0x3  }
0x36: {  	p1 =	seq.s32 s10, $0x1;
	s10 =	sld [smem:$0x3FBA];
	_ =	sdelay $0x3  }
0x37: {  	[smem:$0x3FBA] =	sst s10  }
0x38: {  	s10 =	sld [smem:$0x3FBB]  }
0x39: {  	_ = 	snop;
	(pc) =	sbr.ind lr, $3  }
0x3a: {  	_ = 	snop  }
0x3b: {  	_ = 	snop  }
0x3c: {  	p2 =	seq.s32 s10, $0x1;
	s10 =	sld [smem:$0x3FBA]  }
0x3d: {  	_ =	shalt  }
0x3e: {  	_ =	shalt  }
0x3f: {  	_ =	shalt  }
0x40: {  	_ =	shalt  }
0x41: {  	_ =	shalt  }
0x42: {  	_ =	shalt  }
0x43: {  	_ =	shalt  }
0x44: {  	_ =	shalt  }
0x45: {  	_ =	shalt  }
0x46: {  	_ =	shalt  }
0x47: {  	_ =	shalt  }
0x48: {  	_ =	shalt  }
0x49: {  	_ =	shalt  }
0x4a: {  	_ =	shalt  }
0x4b: {  	_ =	shalt  }
0x4c: {  	_ =	shalt  }
0x4d: {  	_ =	shalt  }
0x4e: {  	_ =	shalt  }
0x4f: {  	_ =	shalt  }
0x50: {  	_ =	shalt  }
0x51: {  	_ =	shalt  }
0x52: {  	_ =	shalt  }
0x53: {  	_ =	shalt  }
0x54: {  	_ =	shalt  }
0x55: {  	_ =	shalt  }
0x56: {  	_ =	shalt  }
0x57: {  	_ =	shalt  }
0x58: {  	_ =	shalt  }
0x59: {  	_ =	shalt  }
0x5a: {  	_ =	shalt  }
0x5b: {  	_ =	shalt  }
0x5c: {  	_ =	shalt  }
0x5d: {  	_ =	shalt  }
0x5e: {  	_ =	shalt  }
0x5f: {  	_ =	shalt  }
0x60: {  	_ =	shalt  }
0x61: {  	_ =	shalt  }
0x62: {  	_ =	shalt  }
0x63: {  	_ =	shalt  }
0x64: {  	_ =	shalt  }
0x65: {  	_ =	shalt  }
0x66: {  	_ =	shalt  }
0x67: {  	_ =	shalt  }
0x68: {  	_ =	shalt  }
0x69: {  	_ =	shalt  }
0x6a: {  	_ =	shalt  }
0x6b: {  	_ =	shalt  }
0x6c: {  	_ =	shalt  }
0x6d: {  	_ =	shalt  }
0x6e: {  	_ =	shalt  }
0x6f: {  	_ =	shalt  }
0x70: {  	_ =	shalt  }
0x71: {  	_ =	shalt  }
0x72: {  	_ =	shalt  }
0x73: {  	_ =	shalt  }
0x74: {  	_ =	shalt  }
0x75: {  	_ =	shalt  }
0x76: {  	_ =	shalt  }
0x77: {  	_ =	shalt  }
0x78: {  	_ =	shalt  }
0x79: {  	_ =	shalt  }
0x7a: {  	_ =	shalt  }
0x7b: {  	_ =	shalt  }
0x7c: {  	_ =	shalt  }
0x7d: {  	_ =	shalt  }
0x7e: {  	_ =	shalt  }
0x7f: {  	_ =	shalt  }
0x80: {  	_ =	shalt  }
0x81: {  	_ =	shalt  }
0x82: {  	_ =	shalt  }
0x83: {  	_ =	shalt  }
0x84: {  	_ =	shalt  }
0x85: {  	_ =	shalt  }
0x86: {  	_ =	shalt  }
0x87: {  	_ =	shalt  }
.Lfunc_end0:
.L_simem_size_0:
called_computation_lowered:
.L_overlay_start_0:
0x88: {  	s2 =	sld [smem:$0x3FD9]  }
0x89: {  	s3 =	sld [smem:$0x3FFE];
	_ =	sdelay $0x1  }
0x8a: {  	s1 =	srdreg.scid  }
0x8b: {  	s0 =	sand.u32 $0x1, s1  }
0x8c: {  	s14 =	sshll.u32 s0, $0xA;
	s2 =	sadd.s32 s3, s2  }
0x8d: {  	s2 =	sadd.s32 s2, s14  }
0x8e: {  	[smem:$0x3FC6] =	sst s2  }
0x8f: {  	_ = 	snop  }
0x90: {  	s2 =	sld [smem:$0x3FD0];
	_ =	sdelay $0x2  }
0x91: {  	s15 =	simm.s32 $0xA;
	s4 =	simm.s32 $0x10  }
0x92: {  	[smem:s4], [sflag:s15] =	dma.local [hbm:s2], $0x1  }
0x93: {  	_ =	swait.eq [sflag:s15], $0x1  }
0x94: {  	[sflag:s15] =	ssyncset.done $0x0  }
0x95: {  	s16 =	sld [smem:$0x10];
	[sflag:s15] =	ssyncadd.s32 $0xFFFFFFFF  }
0x96: {  	s17 =	sld [smem:$0x12];
	(tm) =	ssettm $0x1  }
0x97: {  	s18 =	sld [smem:$0x3FFB];
	_ =	sdelay $0x3  }
0x98: {  	_ =	strace s18  }
0x99: {  	s4 =	sld [smem:$0x3FFC];
	_ =	sdelay $0x3  }
0x9a: {  	_ =	strace s4  }
0x9b: {  	s4 =	sld [smem:$0x3FFD];
	_ =	sdelay $0x3  }
0x9c: {  	_ =	strace s4  }
0x9d: {  	_ =	strace $0x8FFFFFFF  }
0x9e: {  	s19 =	sld [smem:$0x3FDB];
	_ =	sdelay $0x1  }
0x9f: {  	s5 =	simm.s32 $_scs_section_size  }
0xa0: {  	s6 =	simm.s32 $_size__tile_overlayer_lowered;
	s7 =	simm.s32 $_tile_overlayer_lowered  }
0xa1: {  	s22 =	simm.s32 $0x1BFF;
	s21 =	sshll.u32 s7, $0x1;
	s4 =	sadd.s32 s5, s19  }
0xa2: {  	s8 =	simm.s32 $0x0;
	s20 =	sshll.u32 s6, $0x1;
	s6 =	sadd.s32 s21, s4  }
0xa3: {  	[timem:s8], [sflag:s22] =	dma.local [hbm:s6], s20  }
0xa4: {  	_ =	swait.ge [sflag:s22], s20  }
0xa5: {  	s5 =	ssub.s32 $0x0, s20;
	[sflag:s22] =	ssyncset.done $0x0  }
0xa6: {  	[sflag:s22] =	ssyncadd.s32 s5;
	_ =	sdelay $0x1  }
0xa7: {  	s23 =	simm.s32 $0x1B8B  }
0xa8: {  	_ =	swait.ge [sflag:s23], $0x1  }
0xa9: {  	[sflag:s23] =	ssyncset.done $0x0  }
0xaa: {  	s25 =	simm.s32 $0x1B8E;
	s24 =	sld [smem:$0x3FFE];
	[sflag:s23] =	ssyncadd.s32 $0xFFFFFFFF  }
0xab: {  	s26 =	simm.s32 $execute0_lowered;
	[smem:$0x3FD2] =	sst s25  }
0xac: {  	s6 =	sshll.u32 s26, $0x1;
	_ =	strace $0x80000046;
	[dreg:$0x1] =	wrdreg $0xFFFFFFFF  }
0xad: {  	s28 =	simm.s32 $_size_execute0_lowered;
	s4 =	sadd.s32 s4, s6;
	[dreg:$0x0] =	wrdreg $0x0  }
0xae: {  	s6 =	sshll.u32 s28, $0x1;
	[dreg:$0x2] =	wrdreg s4  }
0xaf: {  	[dreg:$0x3] =	wrdreg s6  }
0xb0: {  	[dreg:$0x4] =	wrdreg $0xC0  }
0xb1: {  	_ =	task [dreg:s8], $0x5FFFF  }
0xb2: {  	[dreg:$0x1] =	wrdreg $0xFFFFFFFF  }
0xb3: {  	[dreg:$0x0] =	wrdreg $0x60  }
0xb4: {  	[dreg:$0x2] =	wrdreg s24  }
0xb5: {  	[dreg:$0x3] =	wrdreg s17  }
0xb6: {  	[dreg:$0x4] =	wrdreg s16  }
0xb7: {  	[dreg:$0x5] =	wrdreg $0x102800  }
0xb8: {  	[dreg:$0x6] =	wrdreg $0x9  }
0xb9: {  	_ =	task.clear_ibuf [dreg:s8], $0x7FFFF;
	_ =	strace $0x90000046  }
0xba: {  	s29 =	simm.s32 $0x9;
	_ =	strace $0x80000048  }
0xbb: {  	_ =	swait.ge [sflag:s29], $0x1  }
0xbc: {  	[sflag:s29] =	ssyncadd.s32 $0xFFFFFFFF  }
0xbd: {  	_ =	strace $0x90000048  }
0xbe: {  	_ =	sfence  }
0xbf: {  	s30 =	sld [smem:$0x0];
	_ =	sdelay $0x2  }
0xc0: {  	s31 =	sshll.u32 s1, $0xD;
	s1 =	sshrl.u32 s1, $0x2  }
0xc1: {  	s3 =	sand.u32 $0x4000, s31;
	s1 =	sadd.s32 s1, s30  }
0xc2: {  	s0 =	sor.u32 s3, s0;
	s1 =	sshll.u32 s1, $0x11  }
0xc3: {  	s0 =	sor.u32 s1, s0  }
0xc4: {  	s0 =	sadd.s32 $0x8F2B, s0  }
0xc5: {  	[sflag:s0] =	ssyncadd.remote.s32 $0x1  }
0xc6: {  	_ =	sfence.sel $0xFFFF  }
0xc7: {  	[dreg:$0x0] =	wrdreg $0xFFFFFFFF;
	(pc) =	sbr.abs _section_cstart, $3  }
0xc8: {  	[dreg:$0x1] =	wrdreg $0xFFFFFFFF  }
0xc9: {  	_ =	task.clear_ibuf [dreg:s8], $0x2FFFF;
	_ =	strace $0x9FFFFFFF  }
0xca: {  	(tm) =	ssettm $0x7FFFFFFF  }
0xcb: {  	_ =	shalt  }
tec
execute0_lowered:
.L_overlay_start_1:
0x0: {  	(tag) =	ssettag $0x1  }
0x1: {  	s0 =	rddreg [dreg:$0x0]  }
0x2: {  	s1 =	rddreg [dreg:$0x1]  }
0x3: {  	s12 =	rddreg [dreg:$0x2]  }
0x4: {  	s2 =	rddreg [dreg:$0x3]  }
0x5: {  	s4 =	srdreg.scid;
	s3 =	simm.s32 $0x0;
	s11 =	stileid.u32  }
0x6: {  	s23 =	simm.s32 $0x100;
	s24 =	simm.s32 $0x180;
	s25 =	simm.s32 $0x20  }
0x7: {  	s26 =	simm.s32 $0x10;
	s29 =	simm.s32 $0xA00;
	[dreg:$0x5] =	wrdreg s1  }
0x8: {  	s30 =	simm.s32 $0x1200;
	[smem:$0x7FF] =	sst s3;
	s10 =	sshll.u32 s11, $0x6  }
0x9: {  	s31 =	simm.s32 $0x1A00;
	_ =	strace $0x80000047;
	[dreg:$0x10] =	wrdreg s10  }
0xa: {  	s5 =	sand.u32 $0x1, s4;
	s6 =	sshll.u32 s11, $0xA;
	[dreg:$0xc] =	wrdreg s23  }
0xb: {  	s20 =	sshll.u32 s11, $0x9;
	s11 =	simm.s32 $0x4200;
	[dreg:$0xd] =	wrdreg s24  }
0xc: {  	s4 =	sshll.u32 s5, $0x9;
	s9 =	sshll.u32 s5, $0x7;
	[dreg:$0xe] =	wrdreg s25  }
0xd: {  	s13 =	sadd.s32 s10, s0;
	s5 =	ssub.s32 $0x2, s5;
	[dreg:$0xf] =	wrdreg s26  }
0xe: {  	s10 =	simm.s32 $0x3A00;
	s25 =	simm.s32 $0x8200;
	s26 =	simm.s32 $0xA200  }
0xf: {  	s7 =	sor.u32 s4, s6;
	s4 =	sadd.s32 $0x1800, s0;
	s6 =	sor.u32 s9, s6  }
0x10: {  	s14 =	sshrl.u32 s5, $0x1;
	s16 =	sadd.s32 $0x42200, s13;
	s13 =	simm.s32 $0x5200  }
0x11: {  	s9 =	simm.s32 $0xFA00;
	s8 =	sshrl.u32 s7, $0x3;
	s6 =	sshrl.u32 s6, $0x3  }
0x12: {  	s7 =	sshll.u32 s7, $0x5;
	[dreg:$0x7] =	wrdreg s16;
	s18 =	ssub.s32 s5, s14  }
0x13: {  	s5 =	sadd.s32 s20, s2;
	s20 =	simm.s32 $0x1;
	s2 =	simm.s32 $0x2200  }
0x14: {  	s14 =	simm.s32 $0x6200;
	s16 =	simm.s32 $0x7200;
	s8 =	sadd.s32 s8, s0  }
0x15: {  	s0 =	sadd.s32 s6, s0;
	s17 =	sadd.s32 s12, s7;
	s7 =	smax.u32 s18, $0x1  }
0x16: {  	s28 =	sshrl.u32 s5, $0x3;
	s5 =	simm.s32 $0x3200;
	[dreg:$0x11] =	wrdreg s17  }
0x17: {  	s12 =	simm.s32 $0x4A00;
	s15 =	sadd.s32 $0x41A00, s8;
	[dreg:$0x12] =	wrdreg s28  }
0x18: {  	s6 =	simm.s32 $0x5A00;
	s0 =	sadd.s32 $0x42600, s0;
	[dreg:$0x6] =	wrdreg s15  }
0x19: {  	s18 =	simm.s32 $0x9A00;
	s19 =	sadd.s32 $0x1000, s17;
	[dreg:$0x8] =	wrdreg s0  }
0x1a: {  	v2 =	vlaneseq.u32;
	s21 =	sadd.s32 $0x2000, s17;
	s22 =	sadd.s32 $0x3000, s17;
	[dreg:$0x9] =	wrdreg s19  }
0x1b: {  	vm0 =	vmmov $0xffff;
	v1 =	vshrl.u32 v2, $0x3;
	s8 =	simm.s32 $0x3;
	s17 =	simm.s32 $0x7A00;
	[dreg:$0xa] =	wrdreg s21  }
0x1c: {  	v0 =	vand.u32 $0x7, v2;
	v2 =	vor.u32 $0x8, v2;
	v1 =	vmul.u32 $0x8, v1;
	[dreg:$0xb] =	wrdreg s22;
	s21 =	simm.s32 $0x2;
	s15 =	simm.s32 $0x6A00  }
.LBB2_1:
0x1d: {  	s22 =	rddreg [dreg:$0x6]  }
0x1e: {  	[tilespmem:s3], [sflag:$0x3] =	stream.linear.gather [hbm4b:s22+s3], $0x200, $0x38;
	[tilespmem:$0x10480] =	vst v63  }
0x1f: {  	_ =	swait.ge [sflag:s8], $0x200  }
0x20: {  	[sflag:s8] =	ssyncset.done $0x0  }
0x21: {  	[sflag:s8] =	ssyncadd.s32 $0xFFFFFE00  }
0x22: {  	v3 =	vld [tilespmem:$0x0];
	_ =	sdelay $0x4  }
0x23: {  	v4 =	vshll.u32 v3, $0x1  }
0x24: {  	v3 =	vand.u32 $0x7, v3;
	v4 =	vand.u32 $0xFFFFFFF0, v4  }
0x25: {  	v3 =	vor.u32 v3, v4  }
0x26: {  	v4 =	vperm.xlane v3, v0;
	_ =	sdelay $0x1  }
0x27: {  	v3 =	vperm.xlane v3, v2;
	v4 =	vadd.s32 v1, v4;
	_ =	sdelay $0x1  }
0x28: {  	v3 =	vadd.s32 v1, v3;
	_ =	sdelay $0x1  }
0x29: {  	s0 =	simm.s32 $0x200  }
0x2a: {  	[tilespmem:s0], [sflag:$0x1] =	stream.indirect_vreg.gather [hbm4b:s4+s3], $0x80, v4, vm0, $0xb8;
	[tilespmem:$0x10480] =	vst v63  }
0x2b: {  	_ = 	snop  }
0x2c: {  	[tilespmem:s29], [sflag:$0x1] =	stream.indirect_vreg.gather [hbm4b:s4+s3], $0x80, v3, vm0, $0xb8;
	[tilespmem:$0x10480] =	vst v63  }
0x2d: {  	v3 =	vld [tilespmem:$0x10];
	_ =	sdelay $0x4  }
0x2e: {  	v33 =	vshll.u32 v3, $0x1  }
0x2f: {  	v3 =	vand.u32 $0x7, v3;
	v4 =	vand.u32 $0xFFFFFFF0, v33  }
0x30: {  	v3 =	vor.u32 v3, v4  }
0x31: {  	v4 =	vperm.xlane v3, v0;
	_ =	sdelay $0x1  }
0x32: {  	v3 =	vperm.xlane v3, v2;
	v4 =	vadd.s32 v1, v4;
	_ =	sdelay $0x1  }
0x33: {  	v3 =	vadd.s32 v1, v3;
	_ =	sdelay $0x2  }
0x34: {  	[tilespmem:s30], [sflag:$0x1] =	stream.indirect_vreg.gather [hbm4b:s4+s3], $0x80, v4, vm0, $0xb8;
	[tilespmem:$0x10480] =	vst v63  }
0x35: {  	_ = 	snop  }
0x36: {  	[tilespmem:s31], [sflag:$0x1] =	stream.indirect_vreg.gather [hbm4b:s4+s3], $0x80, v3, vm0, $0xb8;
	[tilespmem:$0x10480] =	vst v63  }
0x37: {  	v3 =	vld [tilespmem:$0x20];
	_ =	sdelay $0x4  }
0x38: {  	v34 =	vshll.u32 v3, $0x1  }
0x39: {  	v3 =	vand.u32 $0x7, v3;
	v4 =	vand.u32 $0xFFFFFFF0, v34  }
0x3a: {  	v3 =	vor.u32 v3, v4  }
0x3b: {  	v4 =	vperm.xlane v3, v0;
	_ =	sdelay $0x1  }
0x3c: {  	v3 =	vperm.xlane v3, v2;
	v4 =	vadd.s32 v1, v4;
	_ =	sdelay $0x1  }
0x3d: {  	v3 =	vadd.s32 v1, v3;
	_ =	sdelay $0x2  }
0x3e: {  	[tilespmem:s2], [sflag:$0x1] =	stream.indirect_vreg.gather [hbm4b:s4+s3], $0x80, v4, vm0, $0xb8;
	[tilespmem:$0x10480] =	vst v63  }
0x3f: {  	s1 =	simm.s32 $0x2A00  }
0x40: {  	[tilespmem:s1], [sflag:$0x1] =	stream.indirect_vreg.gather [hbm4b:s4+s3], $0x80, v3, vm0, $0xb8;
	[tilespmem:$0x10480] =	vst v63  }
0x41: {  	v3 =	vld [tilespmem:$0x30];
	_ =	sdelay $0x4  }
0x42: {  	v35 =	vshll.u32 v3, $0x1  }
0x43: {  	v3 =	vand.u32 $0x7, v3;
	v4 =	vand.u32 $0xFFFFFFF0, v35  }
0x44: {  	v3 =	vor.u32 v3, v4  }
0x45: {  	v4 =	vperm.xlane v3, v0;
	_ =	sdelay $0x1  }
0x46: {  	v3 =	vperm.xlane v3, v2;
	v4 =	vadd.s32 v1, v4;
	_ =	sdelay $0x1  }
0x47: {  	v3 =	vadd.s32 v1, v3;
	_ =	sdelay $0x2  }
0x48: {  	[tilespmem:s5], [sflag:$0x1] =	stream.indirect_vreg.gather [hbm4b:s4+s3], $0x80, v4, vm0, $0xb8;
	[tilespmem:$0x10480] =	vst v63  }
0x49: {  	_ = 	snop  }
0x4a: {  	[tilespmem:s10], [sflag:$0x1] =	stream.indirect_vreg.gather [hbm4b:s4+s3], $0x80, v3, vm0, $0xb8;
	[tilespmem:$0x10480] =	vst v63  }
0x4b: {  	v3 =	vld [tilespmem:$0x40];
	_ =	sdelay $0x4  }
0x4c: {  	v36 =	vshll.u32 v3, $0x1  }
0x4d: {  	v3 =	vand.u32 $0x7, v3;
	v4 =	vand.u32 $0xFFFFFFF0, v36  }
0x4e: {  	v3 =	vor.u32 v3, v4  }
0x4f: {  	v4 =	vperm.xlane v3, v0;
	_ =	sdelay $0x1  }
0x50: {  	v3 =	vperm.xlane v3, v2;
	v4 =	vadd.s32 v1, v4;
	_ =	sdelay $0x1  }
0x51: {  	v3 =	vadd.s32 v1, v3;
	_ =	sdelay $0x2  }
0x52: {  	[tilespmem:s11], [sflag:$0x1] =	stream.indirect_vreg.gather [hbm4b:s4+s3], $0x80, v4, vm0, $0xb8;
	[tilespmem:$0x10480] =	vst v63  }
0x53: {  	_ = 	snop  }
0x54: {  	[tilespmem:s12], [sflag:$0x1] =	stream.indirect_vreg.gather [hbm4b:s4+s3], $0x80, v3, vm0, $0xb8;
	[tilespmem:$0x10480] =	vst v63  }
0x55: {  	v3 =	vld [tilespmem:$0x50];
	_ =	sdelay $0x4  }
0x56: {  	v37 =	vshll.u32 v3, $0x1  }
0x57: {  	v3 =	vand.u32 $0x7, v3;
	v4 =	vand.u32 $0xFFFFFFF0, v37  }
0x58: {  	v3 =	vor.u32 v3, v4  }
0x59: {  	v4 =	vperm.xlane v3, v0;
	_ =	sdelay $0x1  }
0x5a: {  	v3 =	vperm.xlane v3, v2;
	v4 =	vadd.s32 v1, v4;
	_ =	sdelay $0x1  }
0x5b: {  	v3 =	vadd.s32 v1, v3;
	_ =	sdelay $0x2  }
0x5c: {  	[tilespmem:s13], [sflag:$0x1] =	stream.indirect_vreg.gather [hbm4b:s4+s3], $0x80, v4, vm0, $0xb8;
	[tilespmem:$0x10480] =	vst v63  }
0x5d: {  	_ = 	snop  }
0x5e: {  	[tilespmem:s6], [sflag:$0x1] =	stream.indirect_vreg.gather [hbm4b:s4+s3], $0x80, v3, vm0, $0xb8;
	[tilespmem:$0x10480] =	vst v63  }
0x5f: {  	v3 =	vld [tilespmem:$0x60];
	_ =	sdelay $0x4  }
0x60: {  	v38 =	vshll.u32 v3, $0x1  }
0x61: {  	v3 =	vand.u32 $0x7, v3;
	v4 =	vand.u32 $0xFFFFFFF0, v38  }
0x62: {  	v3 =	vor.u32 v3, v4  }
0x63: {  	v4 =	vperm.xlane v3, v0;
	_ =	sdelay $0x1  }
0x64: {  	v3 =	vperm.xlane v3, v2;
	v4 =	vadd.s32 v1, v4;
	_ =	sdelay $0x1  }
0x65: {  	v3 =	vadd.s32 v1, v3;
	_ =	sdelay $0x2  }
0x66: {  	[tilespmem:s14], [sflag:$0x1] =	stream.indirect_vreg.gather [hbm4b:s4+s3], $0x80, v4, vm0, $0xb8;
	[tilespmem:$0x10480] =	vst v63  }
0x67: {  	_ = 	snop  }
0x68: {  	[tilespmem:s15], [sflag:$0x1] =	stream.indirect_vreg.gather [hbm4b:s4+s3], $0x80, v3, vm0, $0xb8;
	[tilespmem:$0x10480] =	vst v63  }
0x69: {  	v3 =	vld [tilespmem:$0x70];
	_ =	sdelay $0x4  }
0x6a: {  	v39 =	vshll.u32 v3, $0x1  }
0x6b: {  	v3 =	vand.u32 $0x7, v3;
	v4 =	vand.u32 $0xFFFFFFF0, v39  }
0x6c: {  	v3 =	vor.u32 v3, v4  }
0x6d: {  	v4 =	vperm.xlane v3, v0;
	_ =	sdelay $0x1  }
0x6e: {  	v3 =	vperm.xlane v3, v2;
	v4 =	vadd.s32 v1, v4;
	_ =	sdelay $0x1  }
0x6f: {  	v3 =	vadd.s32 v1, v3;
	_ =	sdelay $0x2  }
0x70: {  	[tilespmem:s16], [sflag:$0x1] =	stream.indirect_vreg.gather [hbm4b:s4+s3], $0x80, v4, vm0, $0xb8;
	[tilespmem:$0x10480] =	vst v63  }
0x71: {  	_ = 	snop  }
0x72: {  	[tilespmem:s17], [sflag:$0x1] =	stream.indirect_vreg.gather [hbm4b:s4+s3], $0x80, v3, vm0, $0xb8;
	[tilespmem:$0x10480] =	vst v63  }
0x73: {  	v3 =	vld [tilespmem:$0x80];
	_ =	sdelay $0x4  }
0x74: {  	v40 =	vshll.u32 v3, $0x1  }
0x75: {  	v3 =	vand.u32 $0x7, v3;
	v4 =	vand.u32 $0xFFFFFFF0, v40  }
0x76: {  	v3 =	vor.u32 v3, v4  }
0x77: {  	v4 =	vperm.xlane v3, v0;
	_ =	sdelay $0x1  }
0x78: {  	v3 =	vperm.xlane v3, v2;
	v4 =	vadd.s32 v1, v4;
	_ =	sdelay $0x1  }
0x79: {  	v3 =	vadd.s32 v1, v3;
	_ =	sdelay $0x2  }
0x7a: {  	[tilespmem:s25], [sflag:$0x2] =	stream.indirect_vreg.gather [hbm4b:s4+s3], $0x80, v4, vm0, $0xb8;
	[tilespmem:$0x10480] =	vst v63  }
0x7b: {  	s19 =	simm.s32 $0x8A00  }
0x7c: {  	[tilespmem:s19], [sflag:$0x2] =	stream.indirect_vreg.gather [hbm4b:s4+s3], $0x80, v3, vm0, $0xb8;
	[tilespmem:$0x10480] =	vst v63  }
0x7d: {  	v3 =	vld [tilespmem:$0x90];
	_ =	sdelay $0x4  }
0x7e: {  	v41 =	vshll.u32 v3, $0x1  }
0x7f: {  	v3 =	vand.u32 $0x7, v3;
	v4 =	vand.u32 $0xFFFFFFF0, v41  }
0x80: {  	v3 =	vor.u32 v3, v4  }
0x81: {  	v4 =	vperm.xlane v3, v0;
	_ =	sdelay $0x1  }
0x82: {  	v3 =	vperm.xlane v3, v2;
	v4 =	vadd.s32 v1, v4;
	_ =	sdelay $0x1  }
0x83: {  	v3 =	vadd.s32 v1, v3;
	_ =	sdelay $0x1  }
0x84: {  	s22 =	simm.s32 $0x9200  }
0x85: {  	[tilespmem:s22], [sflag:$0x2] =	stream.indirect_vreg.gather [hbm4b:s4+s3], $0x80, v4, vm0, $0xb8;
	[tilespmem:$0x10480] =	vst v63  }
0x86: {  	_ = 	snop  }
0x87: {  	[tilespmem:s18], [sflag:$0x2] =	stream.indirect_vreg.gather [hbm4b:s4+s3], $0x80, v3, vm0, $0xb8;
	[tilespmem:$0x10480] =	vst v63  }
0x88: {  	v3 =	vld [tilespmem:$0xA0];
	_ =	sdelay $0x4  }
0x89: {  	v42 =	vshll.u32 v3, $0x1  }
0x8a: {  	v3 =	vand.u32 $0x7, v3;
	v4 =	vand.u32 $0xFFFFFFF0, v42  }
0x8b: {  	v3 =	vor.u32 v3, v4  }
0x8c: {  	v4 =	vperm.xlane v3, v0;
	_ =	sdelay $0x1  }
0x8d: {  	v3 =	vperm.xlane v3, v2;
	v4 =	vadd.s32 v1, v4;
	_ =	sdelay $0x1  }
0x8e: {  	v3 =	vadd.s32 v1, v3;
	_ =	sdelay $0x2  }
0x8f: {  	[tilespmem:s26], [sflag:$0x2] =	stream.indirect_vreg.gather [hbm4b:s4+s3], $0x80, v4, vm0, $0xb8;
	[tilespmem:$0x10480] =	vst v63  }
0x90: {  	s23 =	simm.s32 $0xAA00  }
0x91: {  	[tilespmem:s23], [sflag:$0x2] =	stream.indirect_vreg.gather [hbm4b:s4+s3], $0x80, v3, vm0, $0xb8;
	[tilespmem:$0x10480] =	vst v63  }
0x92: {  	v3 =	vld [tilespmem:$0xB0];
	_ =	sdelay $0x4  }
0x93: {  	v43 =	vshll.u32 v3, $0x1  }
0x94: {  	v3 =	vand.u32 $0x7, v3;
	v4 =	vand.u32 $0xFFFFFFF0, v43  }
0x95: {  	v3 =	vor.u32 v3, v4  }
0x96: {  	v4 =	vperm.xlane v3, v0;
	_ =	sdelay $0x1  }
0x97: {  	v3 =	vperm.xlane v3, v2;
	v4 =	vadd.s32 v1, v4;
	_ =	sdelay $0x1  }
0x98: {  	v3 =	vadd.s32 v1, v3;
	_ =	sdelay $0x1  }
0x99: {  	s24 =	simm.s32 $0xB200  }
0x9a: {  	[tilespmem:s24], [sflag:$0x2] =	stream.indirect_vreg.gather [hbm4b:s4+s3], $0x80, v4, vm0, $0xb8;
	[tilespmem:$0x10480] =	vst v63  }
0x9b: {  	s28 =	simm.s32 $0xBA00  }
0x9c: {  	[tilespmem:s28], [sflag:$0x2] =	stream.indirect_vreg.gather [hbm4b:s4+s3], $0x80, v3, vm0, $0xb8;
	[tilespmem:$0x10480] =	vst v63  }
0x9d: {  	v3 =	vld [tilespmem:$0xC0];
	_ =	sdelay $0x4  }
0x9e: {  	v44 =	vshll.u32 v3, $0x1  }
0x9f: {  	v3 =	vand.u32 $0x7, v3;
	v4 =	vand.u32 $0xFFFFFFF0, v44  }
0xa0: {  	v3 =	vor.u32 v3, v4  }
0xa1: {  	v4 =	vperm.xlane v3, v0;
	_ =	sdelay $0x1  }
0xa2: {  	v3 =	vperm.xlane v3, v2;
	v4 =	vadd.s32 v1, v4;
	_ =	sdelay $0x1  }
0xa3: {  	v3 =	vadd.s32 v1, v3;
	_ =	sdelay $0x1  }
0xa4: {  	s19 =	simm.s32 $0xC200  }
0xa5: {  	[tilespmem:s19], [sflag:$0x2] =	stream.indirect_vreg.gather [hbm4b:s4+s3], $0x80, v4, vm0, $0xb8;
	[tilespmem:$0x10480] =	vst v63  }
0xa6: {  	s22 =	simm.s32 $0xCA00  }
0xa7: {  	[tilespmem:s22], [sflag:$0x2] =	stream.indirect_vreg.gather [hbm4b:s4+s3], $0x80, v3, vm0, $0xb8;
	[tilespmem:$0x10480] =	vst v63  }
0xa8: {  	v3 =	vld [tilespmem:$0xD0];
	_ =	sdelay $0x4  }
0xa9: {  	v45 =	vshll.u32 v3, $0x1  }
0xaa: {  	v3 =	vand.u32 $0x7, v3;
	v4 =	vand.u32 $0xFFFFFFF0, v45  }
0xab: {  	v3 =	vor.u32 v3, v4  }
0xac: {  	v4 =	vperm.xlane v3, v0;
	_ =	sdelay $0x1  }
0xad: {  	v3 =	vperm.xlane v3, v2;
	v4 =	vadd.s32 v1, v4;
	_ =	sdelay $0x1  }
0xae: {  	v3 =	vadd.s32 v1, v3;
	_ =	sdelay $0x1  }
0xaf: {  	s23 =	simm.s32 $0xD200  }
0xb0: {  	[tilespmem:s23], [sflag:$0x2] =	stream.indirect_vreg.gather [hbm4b:s4+s3], $0x80, v4, vm0, $0xb8;
	[tilespmem:$0x10480] =	vst v63  }
0xb1: {  	s24 =	simm.s32 $0xDA00  }
0xb2: {  	[tilespmem:s24], [sflag:$0x2] =	stream.indirect_vreg.gather [hbm4b:s4+s3], $0x80, v3, vm0, $0xb8;
	[tilespmem:$0x10480] =	vst v63  }
0xb3: {  	v3 =	vld [tilespmem:$0xE0];
	_ =	sdelay $0x4  }
0xb4: {  	v46 =	vshll.u32 v3, $0x1  }
0xb5: {  	v3 =	vand.u32 $0x7, v3;
	v4 =	vand.u32 $0xFFFFFFF0, v46  }
0xb6: {  	v3 =	vor.u32 v3, v4  }
0xb7: {  	v4 =	vperm.xlane v3, v0;
	_ =	sdelay $0x1  }
0xb8: {  	v3 =	vperm.xlane v3, v2;
	v4 =	vadd.s32 v1, v4;
	_ =	sdelay $0x1  }
0xb9: {  	v3 =	vadd.s32 v1, v3;
	_ =	sdelay $0x1  }
0xba: {  	s28 =	simm.s32 $0xE200  }
0xbb: {  	[tilespmem:s28], [sflag:$0x2] =	stream.indirect_vreg.gather [hbm4b:s4+s3], $0x80, v4, vm0, $0xb8;
	[tilespmem:$0x10480] =	vst v63  }
0xbc: {  	s19 =	simm.s32 $0xEA00  }
0xbd: {  	[tilespmem:s19], [sflag:$0x2] =	stream.indirect_vreg.gather [hbm4b:s4+s3], $0x80, v3, vm0, $0xb8;
	[tilespmem:$0x10480] =	vst v63  }
0xbe: {  	v3 =	vld [tilespmem:$0xF0];
	_ =	sdelay $0x4  }
0xbf: {  	v47 =	vshll.u32 v3, $0x1  }
0xc0: {  	v3 =	vand.u32 $0x7, v3;
	v4 =	vand.u32 $0xFFFFFFF0, v47  }
0xc1: {  	v3 =	vor.u32 v3, v4  }
0xc2: {  	v4 =	vperm.xlane v3, v0;
	_ =	sdelay $0x1  }
0xc3: {  	v3 =	vperm.xlane v3, v2;
	v4 =	vadd.s32 v1, v4;
	_ =	sdelay $0x1  }
0xc4: {  	v3 =	vadd.s32 v1, v3;
	_ =	sdelay $0x1  }
0xc5: {  	s22 =	simm.s32 $0xF200  }
0xc6: {  	[tilespmem:s22], [sflag:$0x2] =	stream.indirect_vreg.gather [hbm4b:s4+s3], $0x80, v4, vm0, $0xb8;
	[tilespmem:$0x10480] =	vst v63  }
0xc7: {  	_ = 	snop  }
0xc8: {  	[tilespmem:s9], [sflag:$0x2] =	stream.indirect_vreg.gather [hbm4b:s4+s3], $0x80, v3, vm0, $0xb8;
	[tilespmem:$0x10480] =	vst v63  }
0xc9: {  	s23 =	rddreg [dreg:$0x5];
	s28 =	simm.s32 $0x10200  }
0xca: {  	[tilespmem:s28], [sflag:$0x3] =	stream.linear.gather [hbm4b:s23+s3], $0x80, $0x38;
	[tilespmem:$0x10480] =	vst v63  }
0xcb: {  	_ =	swait.ge [sflag:s8], $0x80  }
0xcc: {  	s24 =	rddreg [dreg:$0x7]  }
0xcd: {  	[sflag:s8] =	ssyncset.done $0x0;
	s23 =	rddreg [dreg:$0x10]  }
0xce: {  	s19 =	rddreg [dreg:$0x12];
	[sflag:s8] =	ssyncadd.s32 $0xFFFFFF80;
	s23 =	sor.u32 $0x1C03, s23  }
0xcf: {  	[spmem:s19], [sflag:s23] =	dma.local [hbm:s24], $0x40  }
0xd0: {  	_ =	swait.ge [sflag:s8], $0x40  }
0xd1: {  	[sflag:s8] =	ssyncset.done $0x0  }
0xd2: {  	[sflag:s8] =	ssyncadd.s32 $0xFFFFFFC0  }
0xd3: {  	[bflag:$0x0] =	sbarrier.arrive $0xFFFF  }
0xd4: {  	s0 =	simm.s32 $0x80;
	s24 =	rddreg [dreg:$0x3]  }
0xd5: {  	[spmem:s24] =	stream.indirect.scatter.add.f32 [tilespmem:s28], [sflag:$0x3], $0x1, s3, s0, $0xb8;
	[tilespmem:$0x10480] =	vst v63  }
0xd6: {  	_ =	swait.ge [sflag:s8], $0x80  }
0xd7: {  	[sflag:s8] =	ssyncset.done $0x0  }
0xd8: {  	[sflag:s8] =	ssyncadd.s32 $0xFFFFFF80  }
0xd9: {  	[spmem:s24] =	stream.indirect.scatter.add.f32 [tilespmem:s28], [sflag:$0x3], $0x1, s0, s0, $0xb8;
	[tilespmem:$0x10480] =	vst v63  }
0xda: {  	_ =	swait.ge [sflag:s8], $0x80  }
0xdb: {  	[sflag:s8] =	ssyncset.done $0x0  }
0xdc: {  	s22 =	rddreg [dreg:$0xc];
	[sflag:s8] =	ssyncadd.s32 $0xFFFFFF80  }
0xdd: {  	[spmem:s24] =	stream.indirect.scatter.add.f32 [tilespmem:s28], [sflag:$0x3], $0x1, s22, s0, $0xb8;
	[tilespmem:$0x10480] =	vst v63  }
0xde: {  	_ =	swait.ge [sflag:s8], $0x80  }
0xdf: {  	[sflag:s8] =	ssyncset.done $0x0  }
0xe0: {  	s22 =	rddreg [dreg:$0xd];
	[sflag:s8] =	ssyncadd.s32 $0xFFFFFF80  }
0xe1: {  	[spmem:s24] =	stream.indirect.scatter.add.f32 [tilespmem:s28], [sflag:$0x3], $0x1, s22, s0, $0xb8;
	[tilespmem:$0x10480] =	vst v63  }
0xe2: {  	_ =	swait.ge [sflag:s8], $0x80  }
0xe3: {  	[sflag:s8] =	ssyncset.done $0x0  }
0xe4: {  	[sflag:s8] =	ssyncadd.s32 $0xFFFFFF80  }
0xe5: {  	[bflag:$0x0] =	sbarrier.arrive $0xFFFF  }
0xe6: {  	s22 =	rddreg [dreg:$0x8]  }
0xe7: {  	s24 =	rddreg [dreg:$0xe]  }
0xe8: {  	s0 =	rddreg [dreg:$0xf]  }
0xe9: {  	[hbm:s22@s24], [sflag:s23] =	dma.strided [spmem:s19@s0], $0x40, s20, $0x10   }
0xea: {  	_ =	swait.ge [sflag:s8], $0x40  }
0xeb: {  	[sflag:s8] =	ssyncset.done $0x0  }
0xec: {  	[sflag:s8] =	ssyncadd.s32 $0xFFFFFFC0  }
0xed: {  	_ =	swait.ge [sflag:s20], $0x8000  }
0xee: {  	[sflag:s20] =	ssyncset.done $0x0  }
0xef: {  	s28 =	simm.s32 $0x200;
	s24 =	rddreg [dreg:$0x11];
	[sflag:s20] =	ssyncadd.s32 $0xFFFF8000  }
0xf0: {  	[hbm4b:s24+s3] =	stream.linear.scatter [tilespmem:s28], [sflag:$0x3], $0x8000, $0x38;
	[tilespmem:$0x10480] =	vst v63  }
0xf1: {  	_ =	swait.ge [sflag:s8], $0x8000  }
0xf2: {  	[sflag:s8] =	ssyncset.done $0x0  }
0xf3: {  	[sflag:s8] =	ssyncadd.s32 $0xFFFF8000  }
0xf4: {  	v3 =	vld [tilespmem:$0x100];
	_ =	sdelay $0x4  }
0xf5: {  	v48 =	vshll.u32 v3, $0x1  }
0xf6: {  	v3 =	vand.u32 $0x7, v3;
	v4 =	vand.u32 $0xFFFFFFF0, v48  }
0xf7: {  	v3 =	vor.u32 v3, v4  }
0xf8: {  	v4 =	vperm.xlane v3, v0;
	_ =	sdelay $0x1  }
0xf9: {  	v3 =	vperm.xlane v3, v2;
	v4 =	vadd.s32 v1, v4;
	_ =	sdelay $0x1  }
0xfa: {  	v3 =	vadd.s32 v1, v3;
	_ =	sdelay $0x2  }
0xfb: {  	[tilespmem:s28], [sflag:$0x1] =	stream.indirect_vreg.gather [hbm4b:s4+s3], $0x80, v4, vm0, $0xb8;
	[tilespmem:$0x10480] =	vst v63  }
0xfc: {  	_ = 	snop  }
0xfd: {  	[tilespmem:s29], [sflag:$0x1] =	stream.indirect_vreg.gather [hbm4b:s4+s3], $0x80, v3, vm0, $0xb8;
	[tilespmem:$0x10480] =	vst v63  }
0xfe: {  	v3 =	vld [tilespmem:$0x110];
	_ =	sdelay $0x4  }
0xff: {  	v49 =	vshll.u32 v3, $0x1  }
0x100: {  	v3 =	vand.u32 $0x7, v3;
	v4 =	vand.u32 $0xFFFFFFF0, v49  }
0x101: {  	v3 =	vor.u32 v3, v4  }
0x102: {  	v4 =	vperm.xlane v3, v0;
	_ =	sdelay $0x1  }
0x103: {  	v3 =	vperm.xlane v3, v2;
	v4 =	vadd.s32 v1, v4;
	_ =	sdelay $0x1  }
0x104: {  	v3 =	vadd.s32 v1, v3;
	_ =	sdelay $0x2  }
0x105: {  	[tilespmem:s30], [sflag:$0x1] =	stream.indirect_vreg.gather [hbm4b:s4+s3], $0x80, v4, vm0, $0xb8;
	[tilespmem:$0x10480] =	vst v63  }
0x106: {  	_ = 	snop  }
0x107: {  	[tilespmem:s31], [sflag:$0x1] =	stream.indirect_vreg.gather [hbm4b:s4+s3], $0x80, v3, vm0, $0xb8;
	[tilespmem:$0x10480] =	vst v63  }
0x108: {  	v3 =	vld [tilespmem:$0x120];
	_ =	sdelay $0x4  }
0x109: {  	v50 =	vshll.u32 v3, $0x1  }
0x10a: {  	v3 =	vand.u32 $0x7, v3;
	v4 =	vand.u32 $0xFFFFFFF0, v50  }
0x10b: {  	v3 =	vor.u32 v3, v4  }
0x10c: {  	v4 =	vperm.xlane v3, v0;
	_ =	sdelay $0x1  }
0x10d: {  	v3 =	vperm.xlane v3, v2;
	v4 =	vadd.s32 v1, v4;
	_ =	sdelay $0x1  }
0x10e: {  	v3 =	vadd.s32 v1, v3;
	_ =	sdelay $0x2  }
0x10f: {  	[tilespmem:s2], [sflag:$0x1] =	stream.indirect_vreg.gather [hbm4b:s4+s3], $0x80, v4, vm0, $0xb8;
	[tilespmem:$0x10480] =	vst v63  }
0x110: {  	_ = 	snop  }
0x111: {  	[tilespmem:s1], [sflag:$0x1] =	stream.indirect_vreg.gather [hbm4b:s4+s3], $0x80, v3, vm0, $0xb8;
	[tilespmem:$0x10480] =	vst v63  }
0x112: {  	v3 =	vld [tilespmem:$0x130];
	_ =	sdelay $0x4  }
0x113: {  	v51 =	vshll.u32 v3, $0x1  }
0x114: {  	v3 =	vand.u32 $0x7, v3;
	v4 =	vand.u32 $0xFFFFFFF0, v51  }
0x115: {  	v3 =	vor.u32 v3, v4  }
0x116: {  	v4 =	vperm.xlane v3, v0;
	_ =	sdelay $0x1  }
0x117: {  	v3 =	vperm.xlane v3, v2;
	v4 =	vadd.s32 v1, v4;
	_ =	sdelay $0x1  }
0x118: {  	v3 =	vadd.s32 v1, v3;
	_ =	sdelay $0x2  }
0x119: {  	[tilespmem:s5], [sflag:$0x1] =	stream.indirect_vreg.gather [hbm4b:s4+s3], $0x80, v4, vm0, $0xb8;
	[tilespmem:$0x10480] =	vst v63  }
0x11a: {  	_ = 	snop  }
0x11b: {  	[tilespmem:s10], [sflag:$0x1] =	stream.indirect_vreg.gather [hbm4b:s4+s3], $0x80, v3, vm0, $0xb8;
	[tilespmem:$0x10480] =	vst v63  }
0x11c: {  	v3 =	vld [tilespmem:$0x140];
	_ =	sdelay $0x4  }
0x11d: {  	v52 =	vshll.u32 v3, $0x1  }
0x11e: {  	v3 =	vand.u32 $0x7, v3;
	v4 =	vand.u32 $0xFFFFFFF0, v52  }
0x11f: {  	v3 =	vor.u32 v3, v4  }
0x120: {  	v4 =	vperm.xlane v3, v0;
	_ =	sdelay $0x1  }
0x121: {  	v3 =	vperm.xlane v3, v2;
	v4 =	vadd.s32 v1, v4;
	_ =	sdelay $0x1  }
0x122: {  	v3 =	vadd.s32 v1, v3;
	_ =	sdelay $0x2  }
0x123: {  	[tilespmem:s11], [sflag:$0x1] =	stream.indirect_vreg.gather [hbm4b:s4+s3], $0x80, v4, vm0, $0xb8;
	[tilespmem:$0x10480] =	vst v63  }
0x124: {  	_ = 	snop  }
0x125: {  	[tilespmem:s12], [sflag:$0x1] =	stream.indirect_vreg.gather [hbm4b:s4+s3], $0x80, v3, vm0, $0xb8;
	[tilespmem:$0x10480] =	vst v63  }
0x126: {  	v3 =	vld [tilespmem:$0x150];
	_ =	sdelay $0x4  }
0x127: {  	v53 =	vshll.u32 v3, $0x1  }
0x128: {  	v3 =	vand.u32 $0x7, v3;
	v4 =	vand.u32 $0xFFFFFFF0, v53  }
0x129: {  	v3 =	vor.u32 v3, v4  }
0x12a: {  	v4 =	vperm.xlane v3, v0;
	_ =	sdelay $0x1  }
0x12b: {  	v3 =	vperm.xlane v3, v2;
	v4 =	vadd.s32 v1, v4;
	_ =	sdelay $0x1  }
0x12c: {  	v3 =	vadd.s32 v1, v3;
	_ =	sdelay $0x2  }
0x12d: {  	[tilespmem:s13], [sflag:$0x1] =	stream.indirect_vreg.gather [hbm4b:s4+s3], $0x80, v4, vm0, $0xb8;
	[tilespmem:$0x10480] =	vst v63  }
0x12e: {  	_ = 	snop  }
0x12f: {  	[tilespmem:s6], [sflag:$0x1] =	stream.indirect_vreg.gather [hbm4b:s4+s3], $0x80, v3, vm0, $0xb8;
	[tilespmem:$0x10480] =	vst v63  }
0x130: {  	v3 =	vld [tilespmem:$0x160];
	_ =	sdelay $0x4  }
0x131: {  	v54 =	vshll.u32 v3, $0x1  }
0x132: {  	v3 =	vand.u32 $0x7, v3;
	v4 =	vand.u32 $0xFFFFFFF0, v54  }
0x133: {  	v3 =	vor.u32 v3, v4  }
0x134: {  	v4 =	vperm.xlane v3, v0;
	_ =	sdelay $0x1  }
0x135: {  	v3 =	vperm.xlane v3, v2;
	v4 =	vadd.s32 v1, v4;
	_ =	sdelay $0x1  }
0x136: {  	v3 =	vadd.s32 v1, v3;
	_ =	sdelay $0x2  }
0x137: {  	[tilespmem:s14], [sflag:$0x1] =	stream.indirect_vreg.gather [hbm4b:s4+s3], $0x80, v4, vm0, $0xb8;
	[tilespmem:$0x10480] =	vst v63  }
0x138: {  	_ = 	snop  }
0x139: {  	[tilespmem:s15], [sflag:$0x1] =	stream.indirect_vreg.gather [hbm4b:s4+s3], $0x80, v3, vm0, $0xb8;
	[tilespmem:$0x10480] =	vst v63  }
0x13a: {  	v3 =	vld [tilespmem:$0x170];
	_ =	sdelay $0x4  }
0x13b: {  	v55 =	vshll.u32 v3, $0x1  }
0x13c: {  	v3 =	vand.u32 $0x7, v3;
	v4 =	vand.u32 $0xFFFFFFF0, v55  }
0x13d: {  	v3 =	vor.u32 v3, v4  }
0x13e: {  	v4 =	vperm.xlane v3, v0;
	_ =	sdelay $0x1  }
0x13f: {  	v3 =	vperm.xlane v3, v2;
	v4 =	vadd.s32 v1, v4;
	_ =	sdelay $0x1  }
0x140: {  	v3 =	vadd.s32 v1, v3;
	_ =	sdelay $0x2  }
0x141: {  	[tilespmem:s16], [sflag:$0x1] =	stream.indirect_vreg.gather [hbm4b:s4+s3], $0x80, v4, vm0, $0xb8;
	[tilespmem:$0x10480] =	vst v63  }
0x142: {  	_ = 	snop  }
0x143: {  	[tilespmem:s17], [sflag:$0x1] =	stream.indirect_vreg.gather [hbm4b:s4+s3], $0x80, v3, vm0, $0xb8;
	[tilespmem:$0x10480] =	vst v63  }
0x144: {  	_ =	swait.ge [sflag:s21], $0x8000  }
0x145: {  	[sflag:s21] =	ssyncset.done $0x0  }
0x146: {  	s19 =	rddreg [dreg:$0x9];
	[sflag:s21] =	ssyncadd.s32 $0xFFFF8000  }
0x147: {  	[hbm4b:s19+s3] =	stream.linear.scatter [tilespmem:s25], [sflag:$0x3], $0x8000, $0x38;
	[tilespmem:$0x10480] =	vst v63  }
0x148: {  	_ =	swait.ge [sflag:s8], $0x8000  }
0x149: {  	[sflag:s8] =	ssyncset.done $0x0  }
0x14a: {  	[sflag:s8] =	ssyncadd.s32 $0xFFFF8000  }
0x14b: {  	v3 =	vld [tilespmem:$0x180];
	_ =	sdelay $0x4  }
0x14c: {  	v56 =	vshll.u32 v3, $0x1  }
0x14d: {  	v3 =	vand.u32 $0x7, v3;
	v4 =	vand.u32 $0xFFFFFFF0, v56  }
0x14e: {  	v3 =	vor.u32 v3, v4  }
0x14f: {  	v4 =	vperm.xlane v3, v0;
	_ =	sdelay $0x1  }
0x150: {  	v3 =	vperm.xlane v3, v2;
	v4 =	vadd.s32 v1, v4;
	_ =	sdelay $0x1  }
0x151: {  	v3 =	vadd.s32 v1, v3;
	_ =	sdelay $0x2  }
0x152: {  	[tilespmem:s25], [sflag:$0x2] =	stream.indirect_vreg.gather [hbm4b:s4+s3], $0x80, v4, vm0, $0xb8;
	[tilespmem:$0x10480] =	vst v63  }
0x153: {  	s22 =	simm.s32 $0x8A00  }
0x154: {  	[tilespmem:s22], [sflag:$0x2] =	stream.indirect_vreg.gather [hbm4b:s4+s3], $0x80, v3, vm0, $0xb8;
	[tilespmem:$0x10480] =	vst v63  }
0x155: {  	v3 =	vld [tilespmem:$0x190];
	_ =	sdelay $0x4  }
0x156: {  	v57 =	vshll.u32 v3, $0x1  }
0x157: {  	v3 =	vand.u32 $0x7, v3;
	v4 =	vand.u32 $0xFFFFFFF0, v57  }
0x158: {  	v3 =	vor.u32 v3, v4  }
0x159: {  	v4 =	vperm.xlane v3, v0;
	_ =	sdelay $0x1  }
0x15a: {  	v3 =	vperm.xlane v3, v2;
	v4 =	vadd.s32 v1, v4;
	_ =	sdelay $0x1  }
0x15b: {  	v3 =	vadd.s32 v1, v3;
	_ =	sdelay $0x1  }
0x15c: {  	s23 =	simm.s32 $0x9200  }
0x15d: {  	[tilespmem:s23], [sflag:$0x2] =	stream.indirect_vreg.gather [hbm4b:s4+s3], $0x80, v4, vm0, $0xb8;
	[tilespmem:$0x10480] =	vst v63  }
0x15e: {  	_ = 	snop  }
0x15f: {  	[tilespmem:s18], [sflag:$0x2] =	stream.indirect_vreg.gather [hbm4b:s4+s3], $0x80, v3, vm0, $0xb8;
	[tilespmem:$0x10480] =	vst v63  }
0x160: {  	v3 =	vld [tilespmem:$0x1A0];
	_ =	sdelay $0x4  }
0x161: {  	v58 =	vshll.u32 v3, $0x1  }
0x162: {  	v3 =	vand.u32 $0x7, v3;
	v4 =	vand.u32 $0xFFFFFFF0, v58  }
0x163: {  	v3 =	vor.u32 v3, v4  }
0x164: {  	v4 =	vperm.xlane v3, v0;
	_ =	sdelay $0x1  }
0x165: {  	v3 =	vperm.xlane v3, v2;
	v4 =	vadd.s32 v1, v4;
	_ =	sdelay $0x1  }
0x166: {  	v3 =	vadd.s32 v1, v3;
	_ =	sdelay $0x2  }
0x167: {  	[tilespmem:s26], [sflag:$0x2] =	stream.indirect_vreg.gather [hbm4b:s4+s3], $0x80, v4, vm0, $0xb8;
	[tilespmem:$0x10480] =	vst v63  }
0x168: {  	s24 =	simm.s32 $0xAA00  }
0x169: {  	[tilespmem:s24], [sflag:$0x2] =	stream.indirect_vreg.gather [hbm4b:s4+s3], $0x80, v3, vm0, $0xb8;
	[tilespmem:$0x10480] =	vst v63  }
0x16a: {  	v3 =	vld [tilespmem:$0x1B0];
	_ =	sdelay $0x4  }
0x16b: {  	v59 =	vshll.u32 v3, $0x1  }
0x16c: {  	v3 =	vand.u32 $0x7, v3;
	v4 =	vand.u32 $0xFFFFFFF0, v59  }
0x16d: {  	v3 =	vor.u32 v3, v4  }
0x16e: {  	v4 =	vperm.xlane v3, v0;
	_ =	sdelay $0x1  }
0x16f: {  	v3 =	vperm.xlane v3, v2;
	v4 =	vadd.s32 v1, v4;
	_ =	sdelay $0x1  }
0x170: {  	v3 =	vadd.s32 v1, v3;
	_ =	sdelay $0x1  }
0x171: {  	s28 =	simm.s32 $0xB200  }
0x172: {  	[tilespmem:s28], [sflag:$0x2] =	stream.indirect_vreg.gather [hbm4b:s4+s3], $0x80, v4, vm0, $0xb8;
	[tilespmem:$0x10480] =	vst v63  }
0x173: {  	s19 =	simm.s32 $0xBA00  }
0x174: {  	[tilespmem:s19], [sflag:$0x2] =	stream.indirect_vreg.gather [hbm4b:s4+s3], $0x80, v3, vm0, $0xb8;
	[tilespmem:$0x10480] =	vst v63  }
0x175: {  	v3 =	vld [tilespmem:$0x1C0];
	_ =	sdelay $0x4  }
0x176: {  	v60 =	vshll.u32 v3, $0x1  }
0x177: {  	v3 =	vand.u32 $0x7, v3;
	v4 =	vand.u32 $0xFFFFFFF0, v60  }
0x178: {  	v3 =	vor.u32 v3, v4  }
0x179: {  	v4 =	vperm.xlane v3, v0;
	_ =	sdelay $0x1  }
0x17a: {  	v3 =	vperm.xlane v3, v2;
	v4 =	vadd.s32 v1, v4;
	_ =	sdelay $0x1  }
0x17b: {  	v3 =	vadd.s32 v1, v3;
	_ =	sdelay $0x1  }
0x17c: {  	s22 =	simm.s32 $0xC200  }
0x17d: {  	[tilespmem:s22], [sflag:$0x2] =	stream.indirect_vreg.gather [hbm4b:s4+s3], $0x80, v4, vm0, $0xb8;
	[tilespmem:$0x10480] =	vst v63  }
0x17e: {  	s23 =	simm.s32 $0xCA00  }
0x17f: {  	[tilespmem:s23], [sflag:$0x2] =	stream.indirect_vreg.gather [hbm4b:s4+s3], $0x80, v3, vm0, $0xb8;
	[tilespmem:$0x10480] =	vst v63  }
0x180: {  	v3 =	vld [tilespmem:$0x1D0];
	_ =	sdelay $0x4  }
0x181: {  	v61 =	vshll.u32 v3, $0x1  }
0x182: {  	v3 =	vand.u32 $0x7, v3;
	v4 =	vand.u32 $0xFFFFFFF0, v61  }
0x183: {  	v3 =	vor.u32 v3, v4  }
0x184: {  	v4 =	vperm.xlane v3, v0;
	_ =	sdelay $0x1  }
0x185: {  	v3 =	vperm.xlane v3, v2;
	v4 =	vadd.s32 v1, v4;
	_ =	sdelay $0x1  }
0x186: {  	v3 =	vadd.s32 v1, v3;
	_ =	sdelay $0x1  }
0x187: {  	s24 =	simm.s32 $0xD200  }
0x188: {  	[tilespmem:s24], [sflag:$0x2] =	stream.indirect_vreg.gather [hbm4b:s4+s3], $0x80, v4, vm0, $0xb8;
	[tilespmem:$0x10480] =	vst v63  }
0x189: {  	s28 =	simm.s32 $0xDA00  }
0x18a: {  	[tilespmem:s28], [sflag:$0x2] =	stream.indirect_vreg.gather [hbm4b:s4+s3], $0x80, v3, vm0, $0xb8;
	[tilespmem:$0x10480] =	vst v63  }
0x18b: {  	v3 =	vld [tilespmem:$0x1E0];
	_ =	sdelay $0x4  }
0x18c: {  	v62 =	vshll.u32 v3, $0x1  }
0x18d: {  	v3 =	vand.u32 $0x7, v3;
	v4 =	vand.u32 $0xFFFFFFF0, v62  }
0x18e: {  	v3 =	vor.u32 v3, v4  }
0x18f: {  	v4 =	vperm.xlane v3, v0;
	_ =	sdelay $0x1  }
0x190: {  	v3 =	vperm.xlane v3, v2;
	v4 =	vadd.s32 v1, v4;
	_ =	sdelay $0x1  }
0x191: {  	v3 =	vadd.s32 v1, v3;
	_ =	sdelay $0x1  }
0x192: {  	s19 =	simm.s32 $0xE200  }
0x193: {  	[tilespmem:s19], [sflag:$0x2] =	stream.indirect_vreg.gather [hbm4b:s4+s3], $0x80, v4, vm0, $0xb8;
	[tilespmem:$0x10480] =	vst v63  }
0x194: {  	s22 =	simm.s32 $0xEA00  }
0x195: {  	[tilespmem:s22], [sflag:$0x2] =	stream.indirect_vreg.gather [hbm4b:s4+s3], $0x80, v3, vm0, $0xb8;
	[tilespmem:$0x10480] =	vst v63  }
0x196: {  	v3 =	vld [tilespmem:$0x1F0];
	_ =	sdelay $0x4  }
0x197: {  	v63 =	vshll.u32 v3, $0x1  }
0x198: {  	v3 =	vand.u32 $0x7, v3;
	v4 =	vand.u32 $0xFFFFFFF0, v63  }
0x199: {  	v3 =	vor.u32 v3, v4  }
0x19a: {  	v4 =	vperm.xlane v3, v0;
	_ =	sdelay $0x1  }
0x19b: {  	v3 =	vperm.xlane v3, v2;
	v4 =	vadd.s32 v1, v4;
	_ =	sdelay $0x1  }
0x19c: {  	v3 =	vadd.s32 v1, v3;
	_ =	sdelay $0x1  }
0x19d: {  	s23 =	simm.s32 $0xF200  }
0x19e: {  	[tilespmem:s23], [sflag:$0x2] =	stream.indirect_vreg.gather [hbm4b:s4+s3], $0x80, v4, vm0, $0xb8;
	[tilespmem:$0x10480] =	vst v63  }
0x19f: {  	_ = 	snop  }
0x1a0: {  	[tilespmem:s9], [sflag:$0x2] =	stream.indirect_vreg.gather [hbm4b:s4+s3], $0x80, v3, vm0, $0xb8;
	[tilespmem:$0x10480] =	vst v63  }
0x1a1: {  	_ =	swait.ge [sflag:s20], $0x8000  }
0x1a2: {  	[sflag:s20] =	ssyncset.done $0x0  }
0x1a3: {  	s0 =	simm.s32 $0x200;
	s24 =	rddreg [dreg:$0xa];
	[sflag:s20] =	ssyncadd.s32 $0xFFFF8000  }
0x1a4: {  	[hbm4b:s24+s3] =	stream.linear.scatter [tilespmem:s0], [sflag:$0x3], $0x8000, $0x38;
	[tilespmem:$0x10480] =	vst v63  }
0x1a5: {  	_ =	swait.ge [sflag:s8], $0x8000  }
0x1a6: {  	[sflag:s8] =	ssyncset.done $0x0  }
0x1a7: {  	[sflag:s8] =	ssyncadd.s32 $0xFFFF8000  }
0x1a8: {  	_ =	swait.ge [sflag:s21], $0x8000  }
0x1a9: {  	p0 =	sne.s32 s7, $0x1;
	[sflag:s21] =	ssyncset.done $0x0  }
.Ltmp0:
0x1aa: {  	s28 =	rddreg [dreg:$0xb];
	[sflag:s21] =	ssyncadd.s32 $0xFFFF8000;
	(pc) =	sbr.rel @p0 .LBB2_1-.Ltmp0, $4  }
0x1ab: {  	[hbm4b:s28+s3] =	stream.linear.scatter [tilespmem:s25], [sflag:$0x3], $0x8000, $0x38;
	[tilespmem:$0x10480] =	vst v63  }
0x1ac: {  	_ =	swait.ge [sflag:s8], $0x8000  }
0x1ad: {  	[sflag:s8] =	ssyncset.done $0x0  }
0x1ae: {  	s7 =	sadd.s32 $0xFFFFFFFF, s7;
	[sflag:s8] =	ssyncadd.s32 $0xFFFF8000  }
0x1af: {  	_ =	sfence.sel $0x180000  }
0x1b0: {  	[bflag:$0x0] =	sbarrier.arrive $0xFFFF  }
0x1b1: {  	_ =	strace $0x90000047  }
0x1b2: {  	s0 =	stileid.u32;
	[bflag:$0x2] =	sbarrier.arrive $0xFFFF  }
0x1b3: {  	p0 =	sne.s32 s0, $0x0;
	s0 =	rddreg [dreg:$0x4]  }
0x1b4: {  	s0 =	sadd.s32 @!p0 $0x100000, s0  }
0x1b5: {  	[sflag:s0] =	ssyncadd.tile.s32 @!p0 $0x1;
	_ =	shalt  }
.Lfunc_end2:
_tile_overlayer_lowered:
.L_overlay_start_2:
0x1b6: {  	(tag) =	ssettag $0x2  }
0x1b7: {  	s0 =	rddreg [dreg:$0x0];
	s2 =	stileid.u32  }
0x1b8: {  	s1 =	rddreg [dreg:$0x1];
	p0 =	sne.s32 s2, $0x0  }
0x1b9: {  	s3 =	rddreg [dreg:$0x2];
	[bflag:$0x3] =	sbarrier.arrive $0xFFFF;
	s2 =	simm.s32 @!p0 $0x1C03  }
0x1ba: {  	[timem:s3], [sflag:s2] =	dma.local @!p0 [hbm:s0], s1  }
0x1bb: {  	s0 =	simm.s32 @!p0 $0x3  }
0x1bc: {  	_ =	swait.ge @!p0 [sflag:s0], s1  }
0x1bd: {  	s1 =	ssub.s32 @!p0 $0x0, s1;
	[sflag:s0] =	ssyncset.done @!p0 $0x0  }
0x1be: {  	[sflag:s0] =	ssyncadd.s32 @!p0 s1  }
0x1bf: {  	[bflag:$0x3] =	sbarrier.arrive $0xFFFF  }
0x1c0: {  	_ =	shalt  }

</sc_bundles>
